<compile_context>
chip_gen: v7x
topology: tpu7x:2x2x1
jax: 0.10.2.dev20260603
libtpu: 0.0.44.dev20260713+nightly
codegen_flags: <defaults>
</compile_context>

<pallas_src>
import functools

import jax
import jax.numpy as jnp
from jax import lax
from jax.experimental import pallas as pl
from jax.experimental.pallas import tpu as pltpu
from jax.experimental.pallas import tpu_sc as plsc

B = 16384
F = 26
V = 100000
D = 16
N_DENSE = 13
SP = F * D

NW = 32
ROWS_PER_W = SP // NW
OH = B // 2
UNROLL = 16


def _gather_body(row_base, rows_per_w, idxT_hbm, table_hbm, out_hbm, idx_v, row_v, out_v):
    wid = lax.axis_index("s") * 2 + lax.axis_index("c")
    r0 = row_base + wid * rows_per_w

    def do_row(j, f_prev):
        r = r0 + j
        f = r // D

        @pl.when(f != f_prev)
        def _stage_idx():
            pltpu.sync_copy(idxT_hbm.at[f], idx_v)

        pltpu.sync_copy(table_hbm.at[r], row_v)

        def do_half(h, carry2):
            @plsc.parallel_loop(0, OH, step=16, unroll=UNROLL)
            def gblk(i):
                iv = idx_v[pl.ds(h * OH + i, 16)]
                out_v[pl.ds(i, 16)] = plsc.load_gather(row_v, [iv])

            pltpu.sync_copy(out_v, out_hbm.at[r - row_base, pl.ds(h * OH, OH)])
            return carry2

        lax.fori_loop(0, 2, do_half, 0)
        return f

    lax.fori_loop(0, rows_per_w, do_row, jnp.int32(-1))


@functools.cache
def _gather(row_base, nrows):
    return pl.kernel(
        functools.partial(_gather_body, row_base, nrows // NW),
        out_type=jax.ShapeDtypeStruct((nrows, B), jnp.float32),
        mesh=plsc.VectorSubcoreMesh(core_axis_name="c", subcore_axis_name="s"),
        scratch_types=[
            pltpu.VMEM((B,), jnp.int32),
            pltpu.VMEM((V,), jnp.float32),
            pltpu.VMEM((OH,), jnp.float32),
        ],
        compiler_params=pltpu.CompilerParams(needs_layout_passes=False),
    )


BB = 4096
SPA = 224
SPB = SP - SPA

_PREC = lax.Precision.DEFAULT


def _dott(a, b):
    return lax.dot_general(a, b, (((0,), (0,)), ((), ())),
                           preferred_element_type=jnp.float32, precision=_PREC)


def _dotn(a, b):
    return lax.dot_general(a, b, (((1,), (0,)), ((), ())),
                           preferred_element_type=jnp.float32, precision=_PREC)


def _sel(n):
    ci = lax.broadcasted_iota(jnp.int32, (D, n), 0)
    cj = lax.broadcasted_iota(jnp.int32, (D, n), 1)
    return jnp.where((cj % D) == ci, 1.0, 0.0).astype(jnp.float32)


def _tc1_body(xs_ref, w1_ref, wfmt_ref, p1_ref, s1_ref, q_ref, f1_ref):
    xs = xs_ref[...]
    p1_ref[...] = _dott(w1_ref[...][:SPA], xs).astype(jnp.bfloat16)
    s1_ref[...] = _dotn(_sel(SPA), xs)
    q_ref[...] = jnp.sum(xs * xs, axis=0, keepdims=True)
    f1_ref[...] = _dotn(wfmt_ref[...][:, :SPA], xs)


def _tc2_body(xs_ref, xd_ref, p1_ref, s1a_ref, qa_ref, f1a_ref,
              w1_ref, b1_ref, w2_ref, b2_ref, w3t_ref, b3_ref,
              wdt_ref, bd_ref, wfmt_ref, bfm_ref, o_ref):
    xs = xs_ref[...]
    xd = xd_ref[...]
    s1 = s1a_ref[...] + _dotn(_sel(SPB), xs)
    fm2 = 0.5 * (jnp.sum(s1 * s1, axis=0, keepdims=True) - qa_ref[...]
                 - jnp.sum(xs * xs, axis=0, keepdims=True))
    wfmt = wfmt_ref[...]
    fm1 = (f1a_ref[...] + _dotn(wfmt[:, SPA:SP], xs)
           + _dotn(wfmt[:, SP:], xd) + bfm_ref[...])
    w1 = w1_ref[...]
    h = jnp.maximum(p1_ref[...].astype(jnp.float32) + _dott(w1[SPA:SP], xs)
                    + _dott(w1[SP:], xd) + b1_ref[...], 0.0)
    h = jnp.maximum(_dott(w2_ref[...], h) + b2_ref[...], 0.0)
    h = jnp.maximum(_dotn(w3t_ref[...], h) + b3_ref[...], 0.0)
    dnn = _dotn(wdt_ref[...], h) + bd_ref[...]
    o_ref[...] = jax.nn.sigmoid(fm1 + fm2 + dnn)


def _full(shape):
    return pl.BlockSpec(shape, lambda i: tuple(0 for _ in shape))


def _col(rows):
    return pl.BlockSpec((rows, BB), lambda i: (0, i))


_tc1_call = pl.pallas_call(
    _tc1_body,
    grid=(B // BB,),
    in_specs=[
        _col(SPA),
        _full((SP + N_DENSE, 256)),
        _full((1, SP + N_DENSE)),
    ],
    out_specs=[_col(256), _col(D), _col(1), _col(1)],
    out_shape=[
        jax.ShapeDtypeStruct((256, B), jnp.bfloat16),
        jax.ShapeDtypeStruct((D, B), jnp.float32),
        jax.ShapeDtypeStruct((1, B), jnp.float32),
        jax.ShapeDtypeStruct((1, B), jnp.float32),
    ],
)

_tc2_call = pl.pallas_call(
    _tc2_body,
    grid=(B // BB,),
    in_specs=[
        _col(SPB),
        _col(N_DENSE),
        _col(256),
        _col(D),
        _col(1),
        _col(1),
        _full((SP + N_DENSE, 256)),
        _full((256, 1)),
        _full((256, 128)),
        _full((128, 1)),
        _full((64, 128)),
        _full((64, 1)),
        _full((1, 64)),
        _full((1, 1)),
        _full((1, SP + N_DENSE)),
        _full((1, 1)),
    ],
    out_specs=_col(1),
    out_shape=jax.ShapeDtypeStruct((1, B), jnp.float32),
)


def kernel(dense_input, sparse_input, embed_tables, W_fm, b_fm,
           W1, b1, W2, b2, W3, b3, Wd, bd):
    tableT = embed_tables.transpose(0, 2, 1).reshape(SP, V)
    idxT = sparse_input.T
    wfmt = W_fm.T
    xsA = _gather(0, SPA)(idxT, tableT)
    xsB = _gather(SPA, SPB)(idxT, tableT)
    p1, s1a, qa, f1a = _tc1_call(xsA, W1, wfmt)
    outT = _tc2_call(
        xsB, dense_input.T, p1, s1a, qa, f1a,
        W1, b1.reshape(-1, 1),
        W2, b2.reshape(-1, 1),
        W3.T, b3.reshape(-1, 1),
        Wd.T, bd.reshape(1, 1),
        wfmt, b_fm.reshape(1, 1),
    )
    return outT.reshape(B)

# --- scband reference (transcript-rebuilt; emitter-appended) ---
"""Pipeline reference for scband-deep-fm-40364102648054 (READ-ONLY COPY).

The authoritative reference and input builder live on the scoring server;
editing this copy changes nothing except your own understanding.
"""

import jax, jax.numpy as jnp
import numpy as np

B = 16384
F = 26
V = 100000
D = 16
N_DENSE = 13
IN = N_DENSE + F * D  # 429
H1, H2, H3 = 256, 128, 64


def setup_inputs(seed: int = 0) -> dict:
    key = jax.random.key(seed)
    ks = jax.random.split(key, 16)
    inp = {}
    inp["dense_input"] = jax.random.normal(ks[0], (B, N_DENSE), dtype=jnp.float32)
    inp["sparse_input"] = jax.random.randint(ks[1], (B, F), 0, V, dtype=jnp.int32)
    # stacked embedding tables, one [V, D] table per sparse field
    inp["embed_tables"] = jax.random.normal(ks[2], (F, V, D), dtype=jnp.float32) * 0.01
    # FM first-order linear over all_input (429 -> 1)
    inp["W_fm"] = jax.random.normal(ks[3], (IN, 1), dtype=jnp.float32) * (1.0 / np.sqrt(IN))
    inp["b_fm"] = jnp.zeros((1,), dtype=jnp.float32)
    # DNN: 429 -> 256 -> 128 -> 64
    inp["W1"] = jax.random.normal(ks[4], (IN, H1), dtype=jnp.float32) * (1.0 / np.sqrt(IN))
    inp["b1"] = jnp.zeros((H1,), dtype=jnp.float32)
    inp["W2"] = jax.random.normal(ks[5], (H1, H2), dtype=jnp.float32) * (1.0 / np.sqrt(H1))
    inp["b2"] = jnp.zeros((H2,), dtype=jnp.float32)
    inp["W3"] = jax.random.normal(ks[6], (H2, H3), dtype=jnp.float32) * (1.0 / np.sqrt(H2))
    inp["b3"] = jnp.zeros((H3,), dtype=jnp.float32)
    # dnn_linear: 64 -> 1
    inp["Wd"] = jax.random.normal(ks[7], (H3, 1), dtype=jnp.float32) * (1.0 / np.sqrt(H3))
    inp["bd"] = jnp.zeros((1,), dtype=jnp.float32)
    return inp


def reference(dense_input, sparse_input, embed_tables, W_fm, b_fm, W1, b1, W2, b2, W3, b3, Wd, bd):
    # per-field embedding lookup: [B, F, D]
    emb = embed_tables[jnp.arange(F)[None, :], sparse_input]
    # concat over fields: [B, F*D]
    sparse_embeds = emb.reshape(emb.shape[0], -1)
    all_input = jnp.concatenate([sparse_embeds, dense_input], axis=1)
    # FM first order
    fm_first = all_input @ W_fm + b_fm
    # FM second order
    fm_second_square_of_sum = jnp.sum(emb, axis=1) ** 2
    fm_second_sum_of_square = jnp.sum(emb ** 2, axis=1)
    fm_second = 0.5 * jnp.sum(fm_second_square_of_sum - fm_second_sum_of_square, axis=1, keepdims=True)
    fm = fm_first + fm_second
    # DNN tower (dropout=0.0 -> identity)
    h = jax.nn.relu(all_input @ W1 + b1)
    h = jax.nn.relu(h @ W2 + b2)
    h = jax.nn.relu(h @ W3 + b3)
    dnn = h @ Wd + bd
    outputs = jax.nn.sigmoid(fm + dnn)
    return outputs.squeeze()

if __name__ == "__main__":
    import jax
    _d = setup_inputs()
    print(jax.jit(kernel)(*tuple(_d.values())))

</pallas_src>

<mosaic_0001>
#map = affine_map<(d0, d1) -> (0, 0)>
module attributes {stable_mosaic.version = 14 : i64} {
  func.func @_gather_body(%arg0: i32, %arg1: i32, %arg2: memref<26x16384xi32, #tpu.memory_space<hbm>>, %arg3: memref<416x100000xf32, #tpu.memory_space<hbm>>, %arg4: memref<192x16384xf32, #tpu.memory_space<hbm>>, %arg5: memref<16384xi32, #tpu.memory_space<vmem>>, %arg6: memref<100000xf32, #tpu.memory_space<vmem>>, %arg7: memref<8192xf32, #tpu.memory_space<vmem>>) attributes {dimension_semantics = [#tpu.dimension_semantics<core_parallel>, #tpu.dimension_semantics<subcore_parallel>], iteration_bounds = array<i64: 2, 16>, scalar_prefetch = 0 : i64, scratch_operands = 3 : i64, tpu.core_type = #tpu.core_type<sc_vector_subcore>, window_params = [{transform_indices = #map}, {transform_indices = #map}, {transform_indices = #map}]} {
    %mul3A = arith.constant 2 : i32
    %mul3A_0 = arith.muli %arg1, %mul3A : i32
    %add3A = arith.addi %mul3A_0, %arg0 : i32
    %mul3A_1 = arith.constant 6 : i32
    %mul3A_2 = arith.muli %add3A, %mul3A_1 : i32
    %add3A_3 = arith.constant 224 : i32
    %add3A_4 = arith.addi %add3A_3, %mul3A_2 : i32
    %scan3A = arith.constant -1 : i32
    %scan3A_5 = arith.constant 0 : i32
    %scan3A_6 = arith.constant 6 : i32
    %scan3A_7 = arith.addi %scan3A_5, %scan3A_6 : i32
    %scan3A_8 = arith.constant 1 : i32
    %scan3A_9 = scf.for %scan3A_11 = %scan3A_5 to %scan3A_7 step %scan3A_8 iter_args(%scan3A_12 = %scan3A) -> (i32)  : i32 {
      %add3A_13 = arith.addi %add3A_4, %scan3A_11 : i32
      %jit3A = arith.constant 16 : i32
      %div3A = arith.divsi %add3A_13, %jit3A : i32
      %sign3A = arith.constant 0 : i32
      %sign3A_14 = arith.cmpi sgt, %add3A_13, %sign3A : i32
      %sign3A_15 = arith.extui %sign3A_14 : i1 to i32
      %sign3A_16 = arith.constant 0 : i32
      %sign3A_17 = arith.cmpi slt, %add3A_13, %sign3A_16 : i32
      %sign3A_18 = arith.extui %sign3A_17 : i1 to i32
      %sign3A_19 = arith.subi %sign3A_15, %sign3A_18 : i32
      %sign3A_20 = arith.constant 0 : i32
      %sign3A_21 = arith.cmpi sgt, %jit3A, %sign3A_20 : i32
      %sign3A_22 = arith.extui %sign3A_21 : i1 to i32
      %sign3A_23 = arith.constant 0 : i32
      %sign3A_24 = arith.cmpi slt, %jit3A, %sign3A_23 : i32
      %sign3A_25 = arith.extui %sign3A_24 : i1 to i32
      %sign3A_26 = arith.subi %sign3A_22, %sign3A_25 : i32
      %ne3A = arith.cmpi ne, %sign3A_19, %sign3A_26 : i32
      %rem3A = arith.remsi %add3A_13, %jit3A : i32
      %ne3A_27 = arith.constant 0 : i32
      %ne3A_28 = arith.cmpi ne, %rem3A, %ne3A_27 : i32
      %and3A = arith.andi %ne3A, %ne3A_28 : i1
      %sub3A = arith.constant 1 : i32
      %sub3A_29 = arith.subi %div3A, %sub3A : i32
      %select_n3A = arith.select %and3A, %sub3A_29, %div3A : i32
      %ne3A_30 = arith.cmpi ne, %select_n3A, %scan3A_12 : i32
      %convert_element_type3A = arith.extui %ne3A_30 : i1 to i32
      %cond3A = arith.constant 0 : i32
      %cond3A_31 = arith.cmpi ne, %convert_element_type3A, %cond3A : i32
      scf.if %cond3A_31 {
        "tpu.region"() ({
          %run_scoped3A = tpu.sem_alloc : memref<!tpu.dma_semaphore, #tpu.memory_space<semaphore_mem>>
          %dma_start3A = arith.constant 0 : i32
          %dma_start3A_38 = tpu.memref_slice %arg2[%select_n3A, %dma_start3A] : memref<26x16384xi32, #tpu.memory_space<hbm>> -> memref<1x16384xi32, #tpu.memory_space<hbm>>
          %dma_start3A_39 = tpu.memref_squeeze %dma_start3A_38 : memref<1x16384xi32, #tpu.memory_space<hbm>> -> memref<16384xi32, #tpu.memory_space<hbm>>
          %dma_start3A_40 = arith.constant 0 : i32
          %dma_start3A_41 = tpu.memref_slice %arg2[%select_n3A, %dma_start3A_40] : memref<26x16384xi32, #tpu.memory_space<hbm>> -> memref<1x16384xi32, #tpu.memory_space<hbm>>
          %dma_start3A_42 = tpu.memref_squeeze %dma_start3A_41 : memref<1x16384xi32, #tpu.memory_space<hbm>> -> memref<16384xi32, #tpu.memory_space<hbm>>
          tpu.enqueue_dma source(%dma_start3A_42 : memref<16384xi32, #tpu.memory_space<hbm>>) target(%arg5 : memref<16384xi32, #tpu.memory_space<vmem>>) target_semaphore(%run_scoped3A : memref<!tpu.dma_semaphore, #tpu.memory_space<semaphore_mem>>)
          %dma_wait3A = arith.constant 0 : i32
          %dma_wait3A_43 = tpu.memref_slice %arg2[%select_n3A, %dma_wait3A] : memref<26x16384xi32, #tpu.memory_space<hbm>> -> memref<1x16384xi32, #tpu.memory_space<hbm>>
          %dma_wait3A_44 = tpu.memref_squeeze %dma_wait3A_43 : memref<1x16384xi32, #tpu.memory_space<hbm>> -> memref<16384xi32, #tpu.memory_space<hbm>>
          %dma_wait3A_45 = arith.constant 0 : i32
          %dma_wait3A_46 = tpu.memref_slice %arg2[%select_n3A, %dma_wait3A_45] : memref<26x16384xi32, #tpu.memory_space<hbm>> -> memref<1x16384xi32, #tpu.memory_space<hbm>>
          %dma_wait3A_47 = tpu.memref_squeeze %dma_wait3A_46 : memref<1x16384xi32, #tpu.memory_space<hbm>> -> memref<16384xi32, #tpu.memory_space<hbm>>
          tpu.wait_dma2 semaphore(%run_scoped3A : memref<!tpu.dma_semaphore, #tpu.memory_space<semaphore_mem>>) src(%dma_wait3A_47 : memref<16384xi32, #tpu.memory_space<hbm>>) dst(%arg5 : memref<16384xi32, #tpu.memory_space<vmem>>)
          tpu.yield
        }) : () -> ()
      } else {
      }
      "tpu.region"() ({
        %run_scoped3A = tpu.sem_alloc : memref<!tpu.dma_semaphore, #tpu.memory_space<semaphore_mem>>
        %dma_start3A = arith.constant 0 : i32
        %dma_start3A_38 = tpu.memref_slice %arg3[%add3A_13, %dma_start3A] : memref<416x100000xf32, #tpu.memory_space<hbm>> -> memref<1x100000xf32, #tpu.memory_space<hbm>>
        %dma_start3A_39 = tpu.memref_squeeze %dma_start3A_38 : memref<1x100000xf32, #tpu.memory_space<hbm>> -> memref<100000xf32, #tpu.memory_space<hbm>>
        %dma_start3A_40 = arith.constant 0 : i32
        %dma_start3A_41 = tpu.memref_slice %arg3[%add3A_13, %dma_start3A_40] : memref<416x100000xf32, #tpu.memory_space<hbm>> -> memref<1x100000xf32, #tpu.memory_space<hbm>>
        %dma_start3A_42 = tpu.memref_squeeze %dma_start3A_41 : memref<1x100000xf32, #tpu.memory_space<hbm>> -> memref<100000xf32, #tpu.memory_space<hbm>>
        tpu.enqueue_dma source(%dma_start3A_42 : memref<100000xf32, #tpu.memory_space<hbm>>) target(%arg6 : memref<100000xf32, #tpu.memory_space<vmem>>) target_semaphore(%run_scoped3A : memref<!tpu.dma_semaphore, #tpu.memory_space<semaphore_mem>>)
        %dma_wait3A = arith.constant 0 : i32
        %dma_wait3A_43 = tpu.memref_slice %arg3[%add3A_13, %dma_wait3A] : memref<416x100000xf32, #tpu.memory_space<hbm>> -> memref<1x100000xf32, #tpu.memory_space<hbm>>
        %dma_wait3A_44 = tpu.memref_squeeze %dma_wait3A_43 : memref<1x100000xf32, #tpu.memory_space<hbm>> -> memref<100000xf32, #tpu.memory_space<hbm>>
        %dma_wait3A_45 = arith.constant 0 : i32
        %dma_wait3A_46 = tpu.memref_slice %arg3[%add3A_13, %dma_wait3A_45] : memref<416x100000xf32, #tpu.memory_space<hbm>> -> memref<1x100000xf32, #tpu.memory_space<hbm>>
        %dma_wait3A_47 = tpu.memref_squeeze %dma_wait3A_46 : memref<1x100000xf32, #tpu.memory_space<hbm>> -> memref<100000xf32, #tpu.memory_space<hbm>>
        tpu.wait_dma2 semaphore(%run_scoped3A : memref<!tpu.dma_semaphore, #tpu.memory_space<semaphore_mem>>) src(%dma_wait3A_47 : memref<100000xf32, #tpu.memory_space<hbm>>) dst(%arg6 : memref<100000xf32, #tpu.memory_space<vmem>>)
        tpu.yield
      }) : () -> ()
      %scan3A_32 = arith.constant 0 : i32
      %scan3A_33 = arith.constant 0 : i32
      %scan3A_34 = arith.constant 2 : i32
      %scan3A_35 = arith.addi %scan3A_33, %scan3A_34 : i32
      %scan3A_36 = arith.constant 1 : i32
      scf.for %scan3A_38 = %scan3A_33 to %scan3A_35 step %scan3A_36  : i32 {
        %parallel_loop3A = arith.constant 0 : i32
        %parallel_loop3A_39 = arith.constant 8192 : i32
        %parallel_loop3A_40 = arith.constant 16 : i32
        scf.for %parallel_loop3A_45 = %parallel_loop3A to %parallel_loop3A_39 step %parallel_loop3A_40  : i32 {
          %parallel_loop3A_46 = arith.constant 8192 : i32
          %parallel_loop3A_47 = arith.muli %scan3A_38, %parallel_loop3A_46 : i32
          %parallel_loop3A_48 = arith.addi %parallel_loop3A_47, %parallel_loop3A_45 : i32
          %parallel_loop3A_49 = arith.index_cast %parallel_loop3A_48 : i32 to index
          %parallel_loop3A_50 = tpu.vector_load %arg5[%parallel_loop3A_49] {strides = array<i32>} : memref<16384xi32, #tpu.memory_space<vmem>>, vector<16xi32>,
          %parallel_loop3A_51 = tpu.vector_load_idx %arg6[%parallel_loop3A_50] : memref<100000xf32, #tpu.memory_space<vmem>>[vector<16xi32>], vector<16xf32>,
          %parallel_loop3A_52 = arith.index_cast %parallel_loop3A_45 : i32 to index
          %parallel_loop3A_53 = tpu.vector_load %arg7[%parallel_loop3A_52] {strides = array<i32>} : memref<8192xf32, #tpu.memory_space<vmem>>, vector<16xf32>,
          tpu.vector_store %arg7[%parallel_loop3A_52], %parallel_loop3A_51 {strides = array<i32>} : memref<8192xf32, #tpu.memory_space<vmem>>, vector<16xf32>,
        } {sc.loop_unroll_factor = 16 : i64, sc.parallel_access}
        %sub3A_41 = arith.constant 224 : i32
        %sub3A_42 = arith.subi %add3A_13, %sub3A_41 : i32
        %mul3A_43 = arith.constant 8192 : i32
        %mul3A_44 = arith.muli %scan3A_38, %mul3A_43 : i32
        "tpu.region"() ({
          %run_scoped3A = tpu.sem_alloc : memref<!tpu.dma_semaphore, #tpu.memory_space<semaphore_mem>>
          %dma_start3A = tpu.memref_slice %arg4[%sub3A_42, %mul3A_44] : memref<192x16384xf32, #tpu.memory_space<hbm>> -> memref<1x8192xf32, #tpu.memory_space<hbm>>
          %dma_start3A_45 = tpu.memref_squeeze %dma_start3A : memref<1x8192xf32, #tpu.memory_space<hbm>> -> memref<8192xf32, #tpu.memory_space<hbm>>
          %dma_start3A_46 = tpu.memref_slice %arg4[%sub3A_42, %mul3A_44] : memref<192x16384xf32, #tpu.memory_space<hbm>> -> memref<1x8192xf32, #tpu.memory_space<hbm>>
          %dma_start3A_47 = tpu.memref_squeeze %dma_start3A_46 : memref<1x8192xf32, #tpu.memory_space<hbm>> -> memref<8192xf32, #tpu.memory_space<hbm>>
          tpu.enqueue_dma source(%arg7 : memref<8192xf32, #tpu.memory_space<vmem>>) target(%dma_start3A_47 : memref<8192xf32, #tpu.memory_space<hbm>>) target_semaphore(%run_scoped3A : memref<!tpu.dma_semaphore, #tpu.memory_space<semaphore_mem>>)
          %dma_wait3A = tpu.memref_slice %arg4[%sub3A_42, %mul3A_44] : memref<192x16384xf32, #tpu.memory_space<hbm>> -> memref<1x8192xf32, #tpu.memory_space<hbm>>
          %dma_wait3A_48 = tpu.memref_squeeze %dma_wait3A : memref<1x8192xf32, #tpu.memory_space<hbm>> -> memref<8192xf32, #tpu.memory_space<hbm>>
          %dma_wait3A_49 = tpu.memref_slice %arg4[%sub3A_42, %mul3A_44] : memref<192x16384xf32, #tpu.memory_space<hbm>> -> memref<1x8192xf32, #tpu.memory_space<hbm>>
          %dma_wait3A_50 = tpu.memref_squeeze %dma_wait3A_49 : memref<1x8192xf32, #tpu.memory_space<hbm>> -> memref<8192xf32, #tpu.memory_space<hbm>>
          tpu.wait_dma2 semaphore(%run_scoped3A : memref<!tpu.dma_semaphore, #tpu.memory_space<semaphore_mem>>) src(%arg7 : memref<8192xf32, #tpu.memory_space<vmem>>) dst(%dma_wait3A_50 : memref<8192xf32, #tpu.memory_space<hbm>>)
          tpu.yield
        }) : () -> ()
      }
      %scan3A_37 = arith.constant 2 : i32
      scf.yield %select_n3A : i32
    }
    %scan3A_10 = arith.constant 6 : i32
    return
  }
}

#map = affine_map<(d0, d1) -> (0, 0)>
module attributes {stable_mosaic.version = 14 : i64} {
  func.func @_gather_body(%arg0: i32, %arg1: i32, %arg2: memref<26x16384xi32, #tpu.memory_space<hbm>>, %arg3: memref<416x100000xf32, #tpu.memory_space<hbm>>, %arg4: memref<224x16384xf32, #tpu.memory_space<hbm>>, %arg5: memref<16384xi32, #tpu.memory_space<vmem>>, %arg6: memref<100000xf32, #tpu.memory_space<vmem>>, %arg7: memref<8192xf32, #tpu.memory_space<vmem>>) attributes {dimension_semantics = [#tpu.dimension_semantics<core_parallel>, #tpu.dimension_semantics<subcore_parallel>], iteration_bounds = array<i64: 2, 16>, scalar_prefetch = 0 : i64, scratch_operands = 3 : i64, tpu.core_type = #tpu.core_type<sc_vector_subcore>, window_params = [{transform_indices = #map}, {transform_indices = #map}, {transform_indices = #map}]} {
    %mul3A = arith.constant 2 : i32
    %mul3A_0 = arith.muli %arg1, %mul3A : i32
    %add3A = arith.addi %mul3A_0, %arg0 : i32
    %mul3A_1 = arith.constant 7 : i32
    %mul3A_2 = arith.muli %add3A, %mul3A_1 : i32
    %add3A_3 = arith.constant 0 : i32
    %add3A_4 = arith.addi %add3A_3, %mul3A_2 : i32
    %scan3A = arith.constant -1 : i32
    %scan3A_5 = arith.constant 0 : i32
    %scan3A_6 = arith.constant 7 : i32
    %scan3A_7 = arith.addi %scan3A_5, %scan3A_6 : i32
    %scan3A_8 = arith.constant 1 : i32
    %scan3A_9 = scf.for %scan3A_11 = %scan3A_5 to %scan3A_7 step %scan3A_8 iter_args(%scan3A_12 = %scan3A) -> (i32)  : i32 {
      %add3A_13 = arith.addi %add3A_4, %scan3A_11 : i32
      %jit3A = arith.constant 16 : i32
      %div3A = arith.divsi %add3A_13, %jit3A : i32
      %sign3A = arith.constant 0 : i32
      %sign3A_14 = arith.cmpi sgt, %add3A_13, %sign3A : i32
      %sign3A_15 = arith.extui %sign3A_14 : i1 to i32
      %sign3A_16 = arith.constant 0 : i32
      %sign3A_17 = arith.cmpi slt, %add3A_13, %sign3A_16 : i32
      %sign3A_18 = arith.extui %sign3A_17 : i1 to i32
      %sign3A_19 = arith.subi %sign3A_15, %sign3A_18 : i32
      %sign3A_20 = arith.constant 0 : i32
      %sign3A_21 = arith.cmpi sgt, %jit3A, %sign3A_20 : i32
      %sign3A_22 = arith.extui %sign3A_21 : i1 to i32
      %sign3A_23 = arith.constant 0 : i32
      %sign3A_24 = arith.cmpi slt, %jit3A, %sign3A_23 : i32
      %sign3A_25 = arith.extui %sign3A_24 : i1 to i32
      %sign3A_26 = arith.subi %sign3A_22, %sign3A_25 : i32
      %ne3A = arith.cmpi ne, %sign3A_19, %sign3A_26 : i32
      %rem3A = arith.remsi %add3A_13, %jit3A : i32
      %ne3A_27 = arith.constant 0 : i32
      %ne3A_28 = arith.cmpi ne, %rem3A, %ne3A_27 : i32
      %and3A = arith.andi %ne3A, %ne3A_28 : i1
      %sub3A = arith.constant 1 : i32
      %sub3A_29 = arith.subi %div3A, %sub3A : i32
      %select_n3A = arith.select %and3A, %sub3A_29, %div3A : i32
      %ne3A_30 = arith.cmpi ne, %select_n3A, %scan3A_12 : i32
      %convert_element_type3A = arith.extui %ne3A_30 : i1 to i32
      %cond3A = arith.constant 0 : i32
      %cond3A_31 = arith.cmpi ne, %convert_element_type3A, %cond3A : i32
      scf.if %cond3A_31 {
        "tpu.region"() ({
          %run_scoped3A = tpu.sem_alloc : memref<!tpu.dma_semaphore, #tpu.memory_space<semaphore_mem>>
          %dma_start3A = arith.constant 0 : i32
          %dma_start3A_38 = tpu.memref_slice %arg2[%select_n3A, %dma_start3A] : memref<26x16384xi32, #tpu.memory_space<hbm>> -> memref<1x16384xi32, #tpu.memory_space<hbm>>
          %dma_start3A_39 = tpu.memref_squeeze %dma_start3A_38 : memref<1x16384xi32, #tpu.memory_space<hbm>> -> memref<16384xi32, #tpu.memory_space<hbm>>
          %dma_start3A_40 = arith.constant 0 : i32
          %dma_start3A_41 = tpu.memref_slice %arg2[%select_n3A, %dma_start3A_40] : memref<26x16384xi32, #tpu.memory_space<hbm>> -> memref<1x16384xi32, #tpu.memory_space<hbm>>
          %dma_start3A_42 = tpu.memref_squeeze %dma_start3A_41 : memref<1x16384xi32, #tpu.memory_space<hbm>> -> memref<16384xi32, #tpu.memory_space<hbm>>
          tpu.enqueue_dma source(%dma_start3A_42 : memref<16384xi32, #tpu.memory_space<hbm>>) target(%arg5 : memref<16384xi32, #tpu.memory_space<vmem>>) target_semaphore(%run_scoped3A : memref<!tpu.dma_semaphore, #tpu.memory_space<semaphore_mem>>)
          %dma_wait3A = arith.constant 0 : i32
          %dma_wait3A_43 = tpu.memref_slice %arg2[%select_n3A, %dma_wait3A] : memref<26x16384xi32, #tpu.memory_space<hbm>> -> memref<1x16384xi32, #tpu.memory_space<hbm>>
          %dma_wait3A_44 = tpu.memref_squeeze %dma_wait3A_43 : memref<1x16384xi32, #tpu.memory_space<hbm>> -> memref<16384xi32, #tpu.memory_space<hbm>>
          %dma_wait3A_45 = arith.constant 0 : i32
          %dma_wait3A_46 = tpu.memref_slice %arg2[%select_n3A, %dma_wait3A_45] : memref<26x16384xi32, #tpu.memory_space<hbm>> -> memref<1x16384xi32, #tpu.memory_space<hbm>>
          %dma_wait3A_47 = tpu.memref_squeeze %dma_wait3A_46 : memref<1x16384xi32, #tpu.memory_space<hbm>> -> memref<16384xi32, #tpu.memory_space<hbm>>
          tpu.wait_dma2 semaphore(%run_scoped3A : memref<!tpu.dma_semaphore, #tpu.memory_space<semaphore_mem>>) src(%dma_wait3A_47 : memref<16384xi32, #tpu.memory_space<hbm>>) dst(%arg5 : memref<16384xi32, #tpu.memory_space<vmem>>)
          tpu.yield
        }) : () -> ()
      } else {
      }
      "tpu.region"() ({
        %run_scoped3A = tpu.sem_alloc : memref<!tpu.dma_semaphore, #tpu.memory_space<semaphore_mem>>
        %dma_start3A = arith.constant 0 : i32
        %dma_start3A_38 = tpu.memref_slice %arg3[%add3A_13, %dma_start3A] : memref<416x100000xf32, #tpu.memory_space<hbm>> -> memref<1x100000xf32, #tpu.memory_space<hbm>>
        %dma_start3A_39 = tpu.memref_squeeze %dma_start3A_38 : memref<1x100000xf32, #tpu.memory_space<hbm>> -> memref<100000xf32, #tpu.memory_space<hbm>>
        %dma_start3A_40 = arith.constant 0 : i32
        %dma_start3A_41 = tpu.memref_slice %arg3[%add3A_13, %dma_start3A_40] : memref<416x100000xf32, #tpu.memory_space<hbm>> -> memref<1x100000xf32, #tpu.memory_space<hbm>>
        %dma_start3A_42 = tpu.memref_squeeze %dma_start3A_41 : memref<1x100000xf32, #tpu.memory_space<hbm>> -> memref<100000xf32, #tpu.memory_space<hbm>>
        tpu.enqueue_dma source(%dma_start3A_42 : memref<100000xf32, #tpu.memory_space<hbm>>) target(%arg6 : memref<100000xf32, #tpu.memory_space<vmem>>) target_semaphore(%run_scoped3A : memref<!tpu.dma_semaphore, #tpu.memory_space<semaphore_mem>>)
        %dma_wait3A = arith.constant 0 : i32
        %dma_wait3A_43 = tpu.memref_slice %arg3[%add3A_13, %dma_wait3A] : memref<416x100000xf32, #tpu.memory_space<hbm>> -> memref<1x100000xf32, #tpu.memory_space<hbm>>
        %dma_wait3A_44 = tpu.memref_squeeze %dma_wait3A_43 : memref<1x100000xf32, #tpu.memory_space<hbm>> -> memref<100000xf32, #tpu.memory_space<hbm>>
        %dma_wait3A_45 = arith.constant 0 : i32
        %dma_wait3A_46 = tpu.memref_slice %arg3[%add3A_13, %dma_wait3A_45] : memref<416x100000xf32, #tpu.memory_space<hbm>> -> memref<1x100000xf32, #tpu.memory_space<hbm>>
        %dma_wait3A_47 = tpu.memref_squeeze %dma_wait3A_46 : memref<1x100000xf32, #tpu.memory_space<hbm>> -> memref<100000xf32, #tpu.memory_space<hbm>>
        tpu.wait_dma2 semaphore(%run_scoped3A : memref<!tpu.dma_semaphore, #tpu.memory_space<semaphore_mem>>) src(%dma_wait3A_47 : memref<100000xf32, #tpu.memory_space<hbm>>) dst(%arg6 : memref<100000xf32, #tpu.memory_space<vmem>>)
        tpu.yield
      }) : () -> ()
      %scan3A_32 = arith.constant 0 : i32
      %scan3A_33 = arith.constant 0 : i32
      %scan3A_34 = arith.constant 2 : i32
      %scan3A_35 = arith.addi %scan3A_33, %scan3A_34 : i32
      %scan3A_36 = arith.constant 1 : i32
      scf.for %scan3A_38 = %scan3A_33 to %scan3A_35 step %scan3A_36  : i32 {
        %parallel_loop3A = arith.constant 0 : i32
        %parallel_loop3A_39 = arith.constant 8192 : i32
        %parallel_loop3A_40 = arith.constant 16 : i32
        scf.for %parallel_loop3A_45 = %parallel_loop3A to %parallel_loop3A_39 step %parallel_loop3A_40  : i32 {
          %parallel_loop3A_46 = arith.constant 8192 : i32
          %parallel_loop3A_47 = arith.muli %scan3A_38, %parallel_loop3A_46 : i32
          %parallel_loop3A_48 = arith.addi %parallel_loop3A_47, %parallel_loop3A_45 : i32
          %parallel_loop3A_49 = arith.index_cast %parallel_loop3A_48 : i32 to index
          %parallel_loop3A_50 = tpu.vector_load %arg5[%parallel_loop3A_49] {strides = array<i32>} : memref<16384xi32, #tpu.memory_space<vmem>>, vector<16xi32>,
          %parallel_loop3A_51 = tpu.vector_load_idx %arg6[%parallel_loop3A_50] : memref<100000xf32, #tpu.memory_space<vmem>>[vector<16xi32>], vector<16xf32>,
          %parallel_loop3A_52 = arith.index_cast %parallel_loop3A_45 : i32 to index
          %parallel_loop3A_53 = tpu.vector_load %arg7[%parallel_loop3A_52] {strides = array<i32>} : memref<8192xf32, #tpu.memory_space<vmem>>, vector<16xf32>,
          tpu.vector_store %arg7[%parallel_loop3A_52], %parallel_loop3A_51 {strides = array<i32>} : memref<8192xf32, #tpu.memory_space<vmem>>, vector<16xf32>,
        } {sc.loop_unroll_factor = 16 : i64, sc.parallel_access}
        %sub3A_41 = arith.constant 0 : i32
        %sub3A_42 = arith.subi %add3A_13, %sub3A_41 : i32
        %mul3A_43 = arith.constant 8192 : i32
        %mul3A_44 = arith.muli %scan3A_38, %mul3A_43 : i32
        "tpu.region"() ({
          %run_scoped3A = tpu.sem_alloc : memref<!tpu.dma_semaphore, #tpu.memory_space<semaphore_mem>>
          %dma_start3A = tpu.memref_slice %arg4[%sub3A_42, %mul3A_44] : memref<224x16384xf32, #tpu.memory_space<hbm>> -> memref<1x8192xf32, #tpu.memory_space<hbm>>
          %dma_start3A_45 = tpu.memref_squeeze %dma_start3A : memref<1x8192xf32, #tpu.memory_space<hbm>> -> memref<8192xf32, #tpu.memory_space<hbm>>
          %dma_start3A_46 = tpu.memref_slice %arg4[%sub3A_42, %mul3A_44] : memref<224x16384xf32, #tpu.memory_space<hbm>> -> memref<1x8192xf32, #tpu.memory_space<hbm>>
          %dma_start3A_47 = tpu.memref_squeeze %dma_start3A_46 : memref<1x8192xf32, #tpu.memory_space<hbm>> -> memref<8192xf32, #tpu.memory_space<hbm>>
          tpu.enqueue_dma source(%arg7 : memref<8192xf32, #tpu.memory_space<vmem>>) target(%dma_start3A_47 : memref<8192xf32, #tpu.memory_space<hbm>>) target_semaphore(%run_scoped3A : memref<!tpu.dma_semaphore, #tpu.memory_space<semaphore_mem>>)
          %dma_wait3A = tpu.memref_slice %arg4[%sub3A_42, %mul3A_44] : memref<224x16384xf32, #tpu.memory_space<hbm>> -> memref<1x8192xf32, #tpu.memory_space<hbm>>
          %dma_wait3A_48 = tpu.memref_squeeze %dma_wait3A : memref<1x8192xf32, #tpu.memory_space<hbm>> -> memref<8192xf32, #tpu.memory_space<hbm>>
          %dma_wait3A_49 = tpu.memref_slice %arg4[%sub3A_42, %mul3A_44] : memref<224x16384xf32, #tpu.memory_space<hbm>> -> memref<1x8192xf32, #tpu.memory_space<hbm>>
          %dma_wait3A_50 = tpu.memref_squeeze %dma_wait3A_49 : memref<1x8192xf32, #tpu.memory_space<hbm>> -> memref<8192xf32, #tpu.memory_space<hbm>>
          tpu.wait_dma2 semaphore(%run_scoped3A : memref<!tpu.dma_semaphore, #tpu.memory_space<semaphore_mem>>) src(%arg7 : memref<8192xf32, #tpu.memory_space<vmem>>) dst(%dma_wait3A_50 : memref<8192xf32, #tpu.memory_space<hbm>>)
          tpu.yield
        }) : () -> ()
      }
      %scan3A_37 = arith.constant 2 : i32
      scf.yield %select_n3A : i32
    }
    %scan3A_10 = arith.constant 7 : i32
    return
  }
}

module attributes {stable_mosaic.version = 14 : i64} {
  func.func @_tc1_body(%arg0: i32, %arg1: memref<224x4096xf32, #tpu.memory_space<vmem>>, %arg2: memref<429x256xf32, #tpu.memory_space<vmem>>, %arg3: memref<1x429xf32, #tpu.memory_space<vmem>>, %arg4: memref<256x4096xbf16, #tpu.memory_space<vmem>>, %arg5: memref<16x4096xf32, #tpu.memory_space<vmem>>, %arg6: memref<1x4096xf32, #tpu.memory_space<vmem>>, %arg7: memref<1x4096xf32, #tpu.memory_space<vmem>>) attributes {dimension_semantics = [#tpu.dimension_semantics<arbitrary>], iteration_bounds = array<i64: 4>, scalar_prefetch = 0 : i64, scratch_operands = 0 : i64, tpu.core_type = #tpu.core_type<tc>, window_params = [{transform_indices = @transform_0, window_bounds = array<i64: 224, 4096>}, {pipeline_mode = #tpu.pipeline_mode<synchronous>, transform_indices = @transform_1, window_bounds = array<i64: 429, 256>}, {pipeline_mode = #tpu.pipeline_mode<synchronous>, transform_indices = @transform_2, window_bounds = array<i64: 1, 429>}, {transform_indices = @transform_3, window_bounds = array<i64: 256, 4096>}, {transform_indices = @transform_4, window_bounds = array<i64: 16, 4096>}, {transform_indices = @transform_5, window_bounds = array<i64: 1, 4096>}, {transform_indices = @transform_6, window_bounds = array<i64: 1, 4096>}]} {
    %get3A = arith.constant 0 : index
    %get3A_0 = arith.constant 0 : index
    %get3A_1 = vector.load %arg1[%get3A, %get3A_0] : memref<224x4096xf32, #tpu.memory_space<vmem>>, vector<224x4096xf32>
    %get3A_2 = arith.constant 0 : index
    %get3A_3 = arith.constant 0 : index
    %get3A_4 = vector.load %arg2[%get3A_2, %get3A_3] : memref<429x256xf32, #tpu.memory_space<vmem>>, vector<429x256xf32>
    %slice3A = vector.extract_strided_slice %get3A_4 {offsets = [0, 0], sizes = [224, 256], strides = [1, 1]} : vector<429x256xf32> to vector<224x256xf32>
    %dot_general3A = arith.constant dense<0.000000e+00> : vector<256x4096xf32>
    %dot_general3A_5 = tpu.matmul %slice3A, %get3A_1, %dot_general3A {dimension_numbers = #tpu.dot_dimension_numbers<[0], [0], [1], [1], [0, 1, 1, 1], [], []>, transpose_lhs_hint = false} : vector<224x256xf32>, vector<224x4096xf32>, vector<256x4096xf32> -> vector<256x4096xf32>
    %convert_element_type3A = arith.truncf %dot_general3A_5 : vector<256x4096xf32> to vector<256x4096xbf16>
    %swap3A = arith.constant 0 : index
    %swap3A_6 = arith.constant 0 : index
    %swap3A_7 = vector.load %arg4[%swap3A, %swap3A_6] : memref<256x4096xbf16, #tpu.memory_space<vmem>>, vector<256x4096xbf16>
    tpu.vector_store %arg4[%swap3A, %swap3A_6], %convert_element_type3A {strides = array<i32>} : memref<256x4096xbf16, #tpu.memory_space<vmem>>, vector<256x4096xbf16>,
    %iota3A = tpu.iota {dimensions = array<i32: 0>} : vector<16x224xi32>
    %iota3A_8 = tpu.iota {dimensions = array<i32: 1>} : vector<16x224xi32>
    %jit3A = arith.constant 16 : i32
    %eq3A = arith.constant 0 : i32
    %eq3A_9 = arith.cmpi eq, %jit3A, %eq3A : i32
    %jit3A_10 = arith.constant 1 : i32
    %select_n3A = arith.select %eq3A_9, %jit3A_10, %jit3A : i32
    %rem3A = vector.broadcast %select_n3A : i32 to vector<16x224xi32>
    %rem3A_11 = arith.remsi %iota3A_8, %rem3A : vector<16x224xi32>
    %ne3A = arith.constant 0 : i32
    %ne3A_12 = vector.broadcast %ne3A : i32 to vector<16x224xi32>
    %ne3A_13 = arith.cmpi ne, %rem3A_11, %ne3A_12 : vector<16x224xi32>
    %lt3A = arith.constant 0 : i32
    %lt3A_14 = vector.broadcast %lt3A : i32 to vector<16x224xi32>
    %lt3A_15 = arith.cmpi slt, %rem3A_11, %lt3A_14 : vector<16x224xi32>
    %lt3A_16 = arith.constant 0 : i32
    %lt3A_17 = arith.cmpi slt, %select_n3A, %lt3A_16 : i32
    %ne3A_18 = vector.broadcast %lt3A_17 : i1 to vector<16x224xi1>
    %ne3A_19 = vector.broadcast %ne3A_18 : vector<16x224xi1> to vector<16x224xi1>
    %ne3A_20 = arith.xori %lt3A_15, %ne3A_19 : vector<16x224xi1>
    %and3A = arith.andi %ne3A_20, %ne3A_13 : vector<16x224xi1>
    %add3A = vector.broadcast %select_n3A : i32 to vector<16x224xi32>
    %add3A_21 = arith.addi %rem3A_11, %add3A : vector<16x224xi32>
    %select_n3A_22 = arith.select %and3A, %add3A_21, %rem3A_11 : vector<16x224xi1>, vector<16x224xi32>
    %eq3A_23 = arith.cmpi eq, %select_n3A_22, %iota3A : vector<16x224xi32>
    %jit3A_24 = arith.constant 1.000000e+00 : f32
    %jit3A_25 = arith.constant 0.000000e+00 : f32
    %broadcast_in_dim3A = vector.broadcast %jit3A_24 : f32 to vector<16x224xf32>
    %broadcast_in_dim3A_26 = vector.broadcast %jit3A_25 : f32 to vector<16x224xf32>
    %select_n3A_27 = arith.select %eq3A_23, %broadcast_in_dim3A, %broadcast_in_dim3A_26 : vector<16x224xi1>, vector<16x224xf32>
    %dot_general3A_28 = arith.constant dense<0.000000e+00> : vector<16x4096xf32>
    %dot_general3A_29 = tpu.matmul %select_n3A_27, %get3A_1, %dot_general3A_28 {dimension_numbers = #tpu.dot_dimension_numbers<[1], [0], [0], [1], [0, 0, 1, 1], [], []>, transpose_lhs_hint = false} : vector<16x224xf32>, vector<224x4096xf32>, vector<16x4096xf32> -> vector<16x4096xf32>
    %swap3A_30 = arith.constant 0 : index
    %swap3A_31 = arith.constant 0 : index
    %swap3A_32 = vector.load %arg5[%swap3A_30, %swap3A_31] : memref<16x4096xf32, #tpu.memory_space<vmem>>, vector<16x4096xf32>
    tpu.vector_store %arg5[%swap3A_30, %swap3A_31], %dot_general3A_29 {strides = array<i32>} : memref<16x4096xf32, #tpu.memory_space<vmem>>, vector<16x4096xf32>,
    %mul3A = arith.mulf %get3A_1, %get3A_1 : vector<224x4096xf32>
    %reduce_sum3A = arith.constant dense<0.000000e+00> : vector<4096xf32>
    %reduce_sum3A_33 = vector.multi_reduction <add>, %mul3A, %reduce_sum3A [0] : vector<224x4096xf32> to vector<4096xf32>
    %broadcast_in_dim3A_34 = vector.shape_cast %reduce_sum3A_33 : vector<4096xf32> to vector<1x4096xf32>
    %swap3A_35 = arith.constant 0 : index
    %swap3A_36 = arith.constant 0 : index
    %swap3A_37 = vector.load %arg6[%swap3A_35, %swap3A_36] : memref<1x4096xf32, #tpu.memory_space<vmem>>, vector<1x4096xf32>
    tpu.vector_store %arg6[%swap3A_35, %swap3A_36], %broadcast_in_dim3A_34 {strides = array<i32>} : memref<1x4096xf32, #tpu.memory_space<vmem>>, vector<1x4096xf32>,
    %get3A_38 = arith.constant 0 : index
    %get3A_39 = arith.constant 0 : index
    %get3A_40 = vector.load %arg3[%get3A_38, %get3A_39] : memref<1x429xf32, #tpu.memory_space<vmem>>, vector<1x429xf32>
    %slice3A_41 = vector.extract_strided_slice %get3A_40 {offsets = [0, 0], sizes = [1, 224], strides = [1, 1]} : vector<1x429xf32> to vector<1x224xf32>
    %dot_general3A_42 = arith.constant dense<0.000000e+00> : vector<1x4096xf32>
    %dot_general3A_43 = tpu.matmul %slice3A_41, %get3A_1, %dot_general3A_42 {dimension_numbers = #tpu.dot_dimension_numbers<[1], [0], [0], [1], [0, 0, 1, 1], [], []>, transpose_lhs_hint = false} : vector<1x224xf32>, vector<224x4096xf32>, vector<1x4096xf32> -> vector<1x4096xf32>
    %swap3A_44 = arith.constant 0 : index
    %swap3A_45 = arith.constant 0 : index
    %swap3A_46 = vector.load %arg7[%swap3A_44, %swap3A_45] : memref<1x4096xf32, #tpu.memory_space<vmem>>, vector<1x4096xf32>
    tpu.vector_store %arg7[%swap3A_44, %swap3A_45], %dot_general3A_43 {strides = array<i32>} : memref<1x4096xf32, #tpu.memory_space<vmem>>, vector<1x4096xf32>,
    return
  }
  func.func @transform_0(%arg0: i32) -> (i32, i32) {
    %c0_i32 = arith.constant 0 : i32
    %c0_i32_0 = arith.constant 0 : i32
    return %c0_i32, %arg0 : i32, i32
  }
  func.func @transform_1(%arg0: i32) -> (i32, i32) {
    %c0_i32 = arith.constant 0 : i32
    %c0_i32_0 = arith.constant 0 : i32
    %c0_i32_1 = arith.constant 0 : i32
    return %c0_i32, %c0_i32_0 : i32, i32
  }
  func.func @transform_2(%arg0: i32) -> (i32, i32) {
    %c0_i32 = arith.constant 0 : i32
    %c0_i32_0 = arith.constant 0 : i32
    %c0_i32_1 = arith.constant 0 : i32
    return %c0_i32, %c0_i32_0 : i32, i32
  }
  func.func @transform_3(%arg0: i32) -> (i32, i32) {
    %c0_i32 = arith.constant 0 : i32
    %c0_i32_0 = arith.constant 0 : i32
    return %c0_i32, %arg0 : i32, i32
  }
  func.func @transform_4(%arg0: i32) -> (i32, i32) {
    %c0_i32 = arith.constant 0 : i32
    %c0_i32_0 = arith.constant 0 : i32
    return %c0_i32, %arg0 : i32, i32
  }
  func.func @transform_5(%arg0: i32) -> (i32, i32) {
    %c0_i32 = arith.constant 0 : i32
    %c0_i32_0 = arith.constant 0 : i32
    return %c0_i32, %arg0 : i32, i32
  }
  func.func @transform_6(%arg0: i32) -> (i32, i32) {
    %c0_i32 = arith.constant 0 : i32
    %c0_i32_0 = arith.constant 0 : i32
    return %c0_i32, %arg0 : i32, i32
  }
}

module attributes {stable_mosaic.version = 14 : i64} {
  func.func @_tc2_body(%arg0: i32, %arg1: memref<192x4096xf32, #tpu.memory_space<vmem>>, %arg2: memref<13x4096xf32, #tpu.memory_space<vmem>>, %arg3: memref<256x4096xbf16, #tpu.memory_space<vmem>>, %arg4: memref<16x4096xf32, #tpu.memory_space<vmem>>, %arg5: memref<1x4096xf32, #tpu.memory_space<vmem>>, %arg6: memref<1x4096xf32, #tpu.memory_space<vmem>>, %arg7: memref<429x256xf32, #tpu.memory_space<vmem>>, %arg8: memref<256x1xf32, #tpu.memory_space<vmem>>, %arg9: memref<256x128xf32, #tpu.memory_space<vmem>>, %arg10: memref<128x1xf32, #tpu.memory_space<vmem>>, %arg11: memref<64x128xf32, #tpu.memory_space<vmem>>, %arg12: memref<64x1xf32, #tpu.memory_space<vmem>>, %arg13: memref<1x64xf32, #tpu.memory_space<vmem>>, %arg14: memref<1x1xf32, #tpu.memory_space<vmem>>, %arg15: memref<1x429xf32, #tpu.memory_space<vmem>>, %arg16: memref<1x1xf32, #tpu.memory_space<vmem>>, %arg17: memref<1x4096xf32, #tpu.memory_space<vmem>>) attributes {dimension_semantics = [#tpu.dimension_semantics<arbitrary>], iteration_bounds = array<i64: 4>, scalar_prefetch = 0 : i64, scratch_operands = 0 : i64, tpu.core_type = #tpu.core_type<tc>, window_params = [{transform_indices = @transform_0, window_bounds = array<i64: 192, 4096>}, {transform_indices = @transform_1, window_bounds = array<i64: 13, 4096>}, {transform_indices = @transform_2, window_bounds = array<i64: 256, 4096>}, {transform_indices = @transform_3, window_bounds = array<i64: 16, 4096>}, {transform_indices = @transform_4, window_bounds = array<i64: 1, 4096>}, {transform_indices = @transform_5, window_bounds = array<i64: 1, 4096>}, {pipeline_mode = #tpu.pipeline_mode<synchronous>, transform_indices = @transform_6, window_bounds = array<i64: 429, 256>}, {pipeline_mode = #tpu.pipeline_mode<synchronous>, transform_indices = @transform_7, window_bounds = array<i64: 256, 1>}, {pipeline_mode = #tpu.pipeline_mode<synchronous>, transform_indices = @transform_8, window_bounds = array<i64: 256, 128>}, {pipeline_mode = #tpu.pipeline_mode<synchronous>, transform_indices = @transform_9, window_bounds = array<i64: 128, 1>}, {pipeline_mode = #tpu.pipeline_mode<synchronous>, transform_indices = @transform_10, window_bounds = array<i64: 64, 128>}, {pipeline_mode = #tpu.pipeline_mode<synchronous>, transform_indices = @transform_11, window_bounds = array<i64: 64, 1>}, {pipeline_mode = #tpu.pipeline_mode<synchronous>, transform_indices = @transform_12, window_bounds = array<i64: 1, 64>}, {pipeline_mode = #tpu.pipeline_mode<synchronous>, transform_indices = @transform_13, window_bounds = array<i64: 1, 1>}, {pipeline_mode = #tpu.pipeline_mode<synchronous>, transform_indices = @transform_14, window_bounds = array<i64: 1, 429>}, {pipeline_mode = #tpu.pipeline_mode<synchronous>, transform_indices = @transform_15, window_bounds = array<i64: 1, 1>}, {transform_indices = @transform_16, window_bounds = array<i64: 1, 4096>}]} {
    %get3A = arith.constant 0 : index
    %get3A_0 = arith.constant 0 : index
    %get3A_1 = vector.load %arg1[%get3A, %get3A_0] : memref<192x4096xf32, #tpu.memory_space<vmem>>, vector<192x4096xf32>
    %get3A_2 = arith.constant 0 : index
    %get3A_3 = arith.constant 0 : index
    %get3A_4 = vector.load %arg2[%get3A_2, %get3A_3] : memref<13x4096xf32, #tpu.memory_space<vmem>>, vector<13x4096xf32>
    %get3A_5 = arith.constant 0 : index
    %get3A_6 = arith.constant 0 : index
    %get3A_7 = vector.load %arg4[%get3A_5, %get3A_6] : memref<16x4096xf32, #tpu.memory_space<vmem>>, vector<16x4096xf32>
    %iota3A = tpu.iota {dimensions = array<i32: 0>} : vector<16x192xi32>
    %iota3A_8 = tpu.iota {dimensions = array<i32: 1>} : vector<16x192xi32>
    %jit3A = arith.constant 16 : i32
    %eq3A = arith.constant 0 : i32
    %eq3A_9 = arith.cmpi eq, %jit3A, %eq3A : i32
    %jit3A_10 = arith.constant 1 : i32
    %select_n3A = arith.select %eq3A_9, %jit3A_10, %jit3A : i32
    %rem3A = vector.broadcast %select_n3A : i32 to vector<16x192xi32>
    %rem3A_11 = arith.remsi %iota3A_8, %rem3A : vector<16x192xi32>
    %ne3A = arith.constant 0 : i32
    %ne3A_12 = vector.broadcast %ne3A : i32 to vector<16x192xi32>
    %ne3A_13 = arith.cmpi ne, %rem3A_11, %ne3A_12 : vector<16x192xi32>
    %lt3A = arith.constant 0 : i32
    %lt3A_14 = vector.broadcast %lt3A : i32 to vector<16x192xi32>
    %lt3A_15 = arith.cmpi slt, %rem3A_11, %lt3A_14 : vector<16x192xi32>
    %lt3A_16 = arith.constant 0 : i32
    %lt3A_17 = arith.cmpi slt, %select_n3A, %lt3A_16 : i32
    %ne3A_18 = vector.broadcast %lt3A_17 : i1 to vector<16x192xi1>
    %ne3A_19 = vector.broadcast %ne3A_18 : vector<16x192xi1> to vector<16x192xi1>
    %ne3A_20 = arith.xori %lt3A_15, %ne3A_19 : vector<16x192xi1>
    %and3A = arith.andi %ne3A_20, %ne3A_13 : vector<16x192xi1>
    %add3A = vector.broadcast %select_n3A : i32 to vector<16x192xi32>
    %add3A_21 = arith.addi %rem3A_11, %add3A : vector<16x192xi32>
    %select_n3A_22 = arith.select %and3A, %add3A_21, %rem3A_11 : vector<16x192xi1>, vector<16x192xi32>
    %eq3A_23 = arith.cmpi eq, %select_n3A_22, %iota3A : vector<16x192xi32>
    %jit3A_24 = arith.constant 1.000000e+00 : f32
    %jit3A_25 = arith.constant 0.000000e+00 : f32
    %broadcast_in_dim3A = vector.broadcast %jit3A_24 : f32 to vector<16x192xf32>
    %broadcast_in_dim3A_26 = vector.broadcast %jit3A_25 : f32 to vector<16x192xf32>
    %select_n3A_27 = arith.select %eq3A_23, %broadcast_in_dim3A, %broadcast_in_dim3A_26 : vector<16x192xi1>, vector<16x192xf32>
    %dot_general3A = arith.constant dense<0.000000e+00> : vector<16x4096xf32>
    %dot_general3A_28 = tpu.matmul %select_n3A_27, %get3A_1, %dot_general3A {dimension_numbers = #tpu.dot_dimension_numbers<[1], [0], [0], [1], [0, 0, 1, 1], [], []>, transpose_lhs_hint = false} : vector<16x192xf32>, vector<192x4096xf32>, vector<16x4096xf32> -> vector<16x4096xf32>
    %add3A_29 = arith.addf %get3A_7, %dot_general3A_28 : vector<16x4096xf32>
    %mul3A = arith.mulf %add3A_29, %add3A_29 : vector<16x4096xf32>
    %reduce_sum3A = arith.constant dense<0.000000e+00> : vector<4096xf32>
    %reduce_sum3A_30 = vector.multi_reduction <add>, %mul3A, %reduce_sum3A [0] : vector<16x4096xf32> to vector<4096xf32>
    %broadcast_in_dim3A_31 = vector.shape_cast %reduce_sum3A_30 : vector<4096xf32> to vector<1x4096xf32>
    %get3A_32 = arith.constant 0 : index
    %get3A_33 = arith.constant 0 : index
    %get3A_34 = vector.load %arg5[%get3A_32, %get3A_33] : memref<1x4096xf32, #tpu.memory_space<vmem>>, vector<1x4096xf32>
    %sub3A = arith.subf %broadcast_in_dim3A_31, %get3A_34 : vector<1x4096xf32>
    %mul3A_35 = arith.mulf %get3A_1, %get3A_1 : vector<192x4096xf32>
    %reduce_sum3A_36 = arith.constant dense<0.000000e+00> : vector<4096xf32>
    %reduce_sum3A_37 = vector.multi_reduction <add>, %mul3A_35, %reduce_sum3A_36 [0] : vector<192x4096xf32> to vector<4096xf32>
    %broadcast_in_dim3A_38 = vector.shape_cast %reduce_sum3A_37 : vector<4096xf32> to vector<1x4096xf32>
    %sub3A_39 = arith.subf %sub3A, %broadcast_in_dim3A_38 : vector<1x4096xf32>
    %mul3A_40 = arith.constant 5.000000e-01 : f32
    %mul3A_41 = vector.broadcast %mul3A_40 : f32 to vector<1x4096xf32>
    %mul3A_42 = arith.mulf %mul3A_41, %sub3A_39 : vector<1x4096xf32>
    %get3A_43 = arith.constant 0 : index
    %get3A_44 = arith.constant 0 : index
    %get3A_45 = vector.load %arg15[%get3A_43, %get3A_44] : memref<1x429xf32, #tpu.memory_space<vmem>>, vector<1x429xf32>
    %get3A_46 = arith.constant 0 : index
    %get3A_47 = arith.constant 0 : index
    %get3A_48 = vector.load %arg6[%get3A_46, %get3A_47] : memref<1x4096xf32, #tpu.memory_space<vmem>>, vector<1x4096xf32>
    %slice3A = vector.extract_strided_slice %get3A_45 {offsets = [0, 224], sizes = [1, 192], strides = [1, 1]} : vector<1x429xf32> to vector<1x192xf32>
    %dot_general3A_49 = arith.constant dense<0.000000e+00> : vector<1x4096xf32>
    %dot_general3A_50 = tpu.matmul %slice3A, %get3A_1, %dot_general3A_49 {dimension_numbers = #tpu.dot_dimension_numbers<[1], [0], [0], [1], [0, 0, 1, 1], [], []>, transpose_lhs_hint = false} : vector<1x192xf32>, vector<192x4096xf32>, vector<1x4096xf32> -> vector<1x4096xf32>
    %add3A_51 = arith.addf %get3A_48, %dot_general3A_50 : vector<1x4096xf32>
    %slice3A_52 = vector.extract_strided_slice %get3A_45 {offsets = [0, 416], sizes = [1, 13], strides = [1, 1]} : vector<1x429xf32> to vector<1x13xf32>
    %dot_general3A_53 = arith.constant dense<0.000000e+00> : vector<1x4096xf32>
    %dot_general3A_54 = tpu.matmul %slice3A_52, %get3A_4, %dot_general3A_53 {dimension_numbers = #tpu.dot_dimension_numbers<[1], [0], [0], [1], [0, 0, 1, 1], [], []>, transpose_lhs_hint = false} : vector<1x13xf32>, vector<13x4096xf32>, vector<1x4096xf32> -> vector<1x4096xf32>
    %add3A_55 = arith.addf %add3A_51, %dot_general3A_54 : vector<1x4096xf32>
    %get3A_56 = arith.constant 0 : index
    %get3A_57 = arith.constant 0 : index
    %get3A_58 = vector.load %arg16[%get3A_56, %get3A_57] : memref<1x1xf32, #tpu.memory_space<vmem>>, vector<1x1xf32>
    %add3A_59 = vector.broadcast %get3A_58 : vector<1x1xf32> to vector<1x4096xf32>
    %add3A_60 = arith.addf %add3A_55, %add3A_59 : vector<1x4096xf32>
    %get3A_61 = arith.constant 0 : index
    %get3A_62 = arith.constant 0 : index
    %get3A_63 = vector.load %arg7[%get3A_61, %get3A_62] : memref<429x256xf32, #tpu.memory_space<vmem>>, vector<429x256xf32>
    %get3A_64 = arith.constant 0 : index
    %get3A_65 = arith.constant 0 : index
    %get3A_66 = vector.load %arg3[%get3A_64, %get3A_65] : memref<256x4096xbf16, #tpu.memory_space<vmem>>, vector<256x4096xbf16>
    %convert_element_type3A = arith.extf %get3A_66 : vector<256x4096xbf16> to vector<256x4096xf32>
    %slice3A_67 = vector.extract_strided_slice %get3A_63 {offsets = [224, 0], sizes = [192, 256], strides = [1, 1]} : vector<429x256xf32> to vector<192x256xf32>
    %dot_general3A_68 = arith.constant dense<0.000000e+00> : vector<256x4096xf32>
    %dot_general3A_69 = tpu.matmul %slice3A_67, %get3A_1, %dot_general3A_68 {dimension_numbers = #tpu.dot_dimension_numbers<[0], [0], [1], [1], [0, 1, 1, 1], [], []>, transpose_lhs_hint = false} : vector<192x256xf32>, vector<192x4096xf32>, vector<256x4096xf32> -> vector<256x4096xf32>
    %add3A_70 = arith.addf %convert_element_type3A, %dot_general3A_69 : vector<256x4096xf32>
    %slice3A_71 = vector.extract_strided_slice %get3A_63 {offsets = [416, 0], sizes = [13, 256], strides = [1, 1]} : vector<429x256xf32> to vector<13x256xf32>
    %dot_general3A_72 = arith.constant dense<0.000000e+00> : vector<256x4096xf32>
    %dot_general3A_73 = tpu.matmul %slice3A_71, %get3A_4, %dot_general3A_72 {dimension_numbers = #tpu.dot_dimension_numbers<[0], [0], [1], [1], [0, 1, 1, 1], [], []>, transpose_lhs_hint = false} : vector<13x256xf32>, vector<13x4096xf32>, vector<256x4096xf32> -> vector<256x4096xf32>
    %add3A_74 = arith.addf %add3A_70, %dot_general3A_73 : vector<256x4096xf32>
    %get3A_75 = arith.constant 0 : index
    %get3A_76 = arith.constant 0 : index
    %get3A_77 = vector.load %arg8[%get3A_75, %get3A_76] : memref<256x1xf32, #tpu.memory_space<vmem>>, vector<256x1xf32>
    %add3A_78 = vector.broadcast %get3A_77 : vector<256x1xf32> to vector<256x4096xf32>
    %add3A_79 = arith.addf %add3A_74, %add3A_78 : vector<256x4096xf32>
    %max3A = arith.constant 0.000000e+00 : f32
    %max3A_80 = vector.broadcast %max3A : f32 to vector<256x4096xf32>
    %max3A_81 = arith.maximumf %add3A_79, %max3A_80 : vector<256x4096xf32>
    %get3A_82 = arith.constant 0 : index
    %get3A_83 = arith.constant 0 : index
    %get3A_84 = vector.load %arg9[%get3A_82, %get3A_83] : memref<256x128xf32, #tpu.memory_space<vmem>>, vector<256x128xf32>
    %dot_general3A_85 = arith.constant dense<0.000000e+00> : vector<128x4096xf32>
    %dot_general3A_86 = tpu.matmul %get3A_84, %max3A_81, %dot_general3A_85 {dimension_numbers = #tpu.dot_dimension_numbers<[0], [0], [1], [1], [0, 1, 1, 1], [], []>, transpose_lhs_hint = false} : vector<256x128xf32>, vector<256x4096xf32>, vector<128x4096xf32> -> vector<128x4096xf32>
    %get3A_87 = arith.constant 0 : index
    %get3A_88 = arith.constant 0 : index
    %get3A_89 = vector.load %arg10[%get3A_87, %get3A_88] : memref<128x1xf32, #tpu.memory_space<vmem>>, vector<128x1xf32>
    %add3A_90 = vector.broadcast %get3A_89 : vector<128x1xf32> to vector<128x4096xf32>
    %add3A_91 = arith.addf %dot_general3A_86, %add3A_90 : vector<128x4096xf32>
    %max3A_92 = arith.constant 0.000000e+00 : f32
    %max3A_93 = vector.broadcast %max3A_92 : f32 to vector<128x4096xf32>
    %max3A_94 = arith.maximumf %add3A_91, %max3A_93 : vector<128x4096xf32>
    %get3A_95 = arith.constant 0 : index
    %get3A_96 = arith.constant 0 : index
    %get3A_97 = vector.load %arg11[%get3A_95, %get3A_96] : memref<64x128xf32, #tpu.memory_space<vmem>>, vector<64x128xf32>
    %dot_general3A_98 = arith.constant dense<0.000000e+00> : vector<64x4096xf32>
    %dot_general3A_99 = tpu.matmul %get3A_97, %max3A_94, %dot_general3A_98 {dimension_numbers = #tpu.dot_dimension_numbers<[1], [0], [0], [1], [0, 0, 1, 1], [], []>, transpose_lhs_hint = false} : vector<64x128xf32>, vector<128x4096xf32>, vector<64x4096xf32> -> vector<64x4096xf32>
    %get3A_100 = arith.constant 0 : index
    %get3A_101 = arith.constant 0 : index
    %get3A_102 = vector.load %arg12[%get3A_100, %get3A_101] : memref<64x1xf32, #tpu.memory_space<vmem>>, vector<64x1xf32>
    %add3A_103 = vector.broadcast %get3A_102 : vector<64x1xf32> to vector<64x4096xf32>
    %add3A_104 = arith.addf %dot_general3A_99, %add3A_103 : vector<64x4096xf32>
    %max3A_105 = arith.constant 0.000000e+00 : f32
    %max3A_106 = vector.broadcast %max3A_105 : f32 to vector<64x4096xf32>
    %max3A_107 = arith.maximumf %add3A_104, %max3A_106 : vector<64x4096xf32>
    %get3A_108 = arith.constant 0 : index
    %get3A_109 = arith.constant 0 : index
    %get3A_110 = vector.load %arg13[%get3A_108, %get3A_109] : memref<1x64xf32, #tpu.memory_space<vmem>>, vector<1x64xf32>
    %dot_general3A_111 = arith.constant dense<0.000000e+00> : vector<1x4096xf32>
    %dot_general3A_112 = tpu.matmul %get3A_110, %max3A_107, %dot_general3A_111 {dimension_numbers = #tpu.dot_dimension_numbers<[1], [0], [0], [1], [0, 0, 1, 1], [], []>, transpose_lhs_hint = false} : vector<1x64xf32>, vector<64x4096xf32>, vector<1x4096xf32> -> vector<1x4096xf32>
    %get3A_113 = arith.constant 0 : index
    %get3A_114 = arith.constant 0 : index
    %get3A_115 = vector.load %arg14[%get3A_113, %get3A_114] : memref<1x1xf32, #tpu.memory_space<vmem>>, vector<1x1xf32>
    %add3A_116 = vector.broadcast %get3A_115 : vector<1x1xf32> to vector<1x4096xf32>
    %add3A_117 = arith.addf %dot_general3A_112, %add3A_116 : vector<1x4096xf32>
    %add3A_118 = arith.addf %add3A_60, %mul3A_42 : vector<1x4096xf32>
    %add3A_119 = arith.addf %add3A_118, %add3A_117 : vector<1x4096xf32>
    %logistic3A = arith.negf %add3A_119 : vector<1x4096xf32>
    %logistic3A_120 = math.exp %logistic3A : vector<1x4096xf32>
    %logistic3A_121 = arith.constant 1.000000e+00 : f32
    %logistic3A_122 = vector.broadcast %logistic3A_121 : f32 to vector<1x4096xf32>
    %logistic3A_123 = arith.addf %logistic3A_122, %logistic3A_120 : vector<1x4096xf32>
    %logistic3A_124 = arith.divf %logistic3A_122, %logistic3A_123 : vector<1x4096xf32>
    %swap3A = arith.constant 0 : index
    %swap3A_125 = arith.constant 0 : index
    %swap3A_126 = vector.load %arg17[%swap3A, %swap3A_125] : memref<1x4096xf32, #tpu.memory_space<vmem>>, vector<1x4096xf32>
    tpu.vector_store %arg17[%swap3A, %swap3A_125], %logistic3A_124 {strides = array<i32>} : memref<1x4096xf32, #tpu.memory_space<vmem>>, vector<1x4096xf32>,
    return
  }
  func.func @transform_0(%arg0: i32) -> (i32, i32) {
    %c0_i32 = arith.constant 0 : i32
    %c0_i32_0 = arith.constant 0 : i32
    return %c0_i32, %arg0 : i32, i32
  }
  func.func @transform_1(%arg0: i32) -> (i32, i32) {
    %c0_i32 = arith.constant 0 : i32
    %c0_i32_0 = arith.constant 0 : i32
    return %c0_i32, %arg0 : i32, i32
  }
  func.func @transform_2(%arg0: i32) -> (i32, i32) {
    %c0_i32 = arith.constant 0 : i32
    %c0_i32_0 = arith.constant 0 : i32
    return %c0_i32, %arg0 : i32, i32
  }
  func.func @transform_3(%arg0: i32) -> (i32, i32) {
    %c0_i32 = arith.constant 0 : i32
    %c0_i32_0 = arith.constant 0 : i32
    return %c0_i32, %arg0 : i32, i32
  }
  func.func @transform_4(%arg0: i32) -> (i32, i32) {
    %c0_i32 = arith.constant 0 : i32
    %c0_i32_0 = arith.constant 0 : i32
    return %c0_i32, %arg0 : i32, i32
  }
  func.func @transform_5(%arg0: i32) -> (i32, i32) {
    %c0_i32 = arith.constant 0 : i32
    %c0_i32_0 = arith.constant 0 : i32
    return %c0_i32, %arg0 : i32, i32
  }
  func.func @transform_6(%arg0: i32) -> (i32, i32) {
    %c0_i32 = arith.constant 0 : i32
    %c0_i32_0 = arith.constant 0 : i32
    %c0_i32_1 = arith.constant 0 : i32
    return %c0_i32, %c0_i32_0 : i32, i32
  }
  func.func @transform_7(%arg0: i32) -> (i32, i32) {
    %c0_i32 = arith.constant 0 : i32
    %c0_i32_0 = arith.constant 0 : i32
    %c0_i32_1 = arith.constant 0 : i32
    return %c0_i32, %c0_i32_0 : i32, i32
  }
  func.func @transform_8(%arg0: i32) -> (i32, i32) {
    %c0_i32 = arith.constant 0 : i32
    %c0_i32_0 = arith.constant 0 : i32
    %c0_i32_1 = arith.constant 0 : i32
    return %c0_i32, %c0_i32_0 : i32, i32
  }
  func.func @transform_9(%arg0: i32) -> (i32, i32) {
    %c0_i32 = arith.constant 0 : i32
    %c0_i32_0 = arith.constant 0 : i32
    %c0_i32_1 = arith.constant 0 : i32
    return %c0_i32, %c0_i32_0 : i32, i32
  }
  func.func @transform_10(%arg0: i32) -> (i32, i32) {
    %c0_i32 = arith.constant 0 : i32
    %c0_i32_0 = arith.constant 0 : i32
    %c0_i32_1 = arith.constant 0 : i32
    return %c0_i32, %c0_i32_0 : i32, i32
  }
  func.func @transform_11(%arg0: i32) -> (i32, i32) {
    %c0_i32 = arith.constant 0 : i32
    %c0_i32_0 = arith.constant 0 : i32
    %c0_i32_1 = arith.constant 0 : i32
    return %c0_i32, %c0_i32_0 : i32, i32
  }
  func.func @transform_12(%arg0: i32) -> (i32, i32) {
    %c0_i32 = arith.constant 0 : i32
    %c0_i32_0 = arith.constant 0 : i32
    %c0_i32_1 = arith.constant 0 : i32
    return %c0_i32, %c0_i32_0 : i32, i32
  }
  func.func @transform_13(%arg0: i32) -> (i32, i32) {
    %c0_i32 = arith.constant 0 : i32
    %c0_i32_0 = arith.constant 0 : i32
    %c0_i32_1 = arith.constant 0 : i32
    return %c0_i32, %c0_i32_0 : i32, i32
  }
  func.func @transform_14(%arg0: i32) -> (i32, i32) {
    %c0_i32 = arith.constant 0 : i32
    %c0_i32_0 = arith.constant 0 : i32
    %c0_i32_1 = arith.constant 0 : i32
    return %c0_i32, %c0_i32_0 : i32, i32
  }
  func.func @transform_15(%arg0: i32) -> (i32, i32) {
    %c0_i32 = arith.constant 0 : i32
    %c0_i32_0 = arith.constant 0 : i32
    %c0_i32_1 = arith.constant 0 : i32
    return %c0_i32, %c0_i32_0 : i32, i32
  }
  func.func @transform_16(%arg0: i32) -> (i32, i32) {
    %c0_i32 = arith.constant 0 : i32
    %c0_i32_0 = arith.constant 0 : i32
    return %c0_i32, %arg0 : i32, i32
  }
}

</mosaic_0001>

<sc_bundles>
// kernel: kernel.6.cloned.1.call-start
scs
__scs_entry_jumppad:
0x0: {  	(pc) =	sbr.rel $0x88, $3  }
0x1: {  	(tag) =	ssettag $0x0;
	lr =	simm.s32 $0x1  }
0x2: {  	[smem:$0x3F94] =	sst lr;
	_ =	strace $0xD0000000  }
0x3: {  	_ = 	snop  }
0x4: {  	_ = 	snop  }
0x5: {  	_ = 	snop  }
0x6: {  	_ = 	snop  }
0x7: {  	_ = 	snop  }
__scs_overlays_trampoline_lowered:
0x8: {  	[smem:$0x3FA3] =	sst s0  }
0x9: {  	[smem:$0x3FA4] =	sst s1  }
0xa: {  	[smem:$0x3FA5] =	sst s2  }
0xb: {  	[smem:$0x3FA6] =	sst s3  }
0xc: {  	[smem:$0x3FA7] =	sst s4  }
0xd: {  	[smem:$0x3FA8] =	sst s5  }
0xe: {  	[smem:$0x3FA9] =	sst s6  }
0xf: {  	[smem:$0x3FAA] =	sst s7  }
0x10: {  	[smem:$0x3FAB] =	sst s8  }
0x11: {  	[smem:$0x3FAC] =	sst s9;
	s0 =	simm.s32 @!p0 $0x0  }
0x12: {  	s1 =	sld [smem:$0x3F92];
	s0 =	simm.s32 @p0 $0x1  }
0x13: {  	[smem:$0x3FAD] =	sst s0;
	s0 =	simm.s32 @!p1 $0x0  }
0x14: {  	s2 =	sld [smem:$0x3F91];
	s0 =	simm.s32 @p1 $0x1  }
0x15: {  	[smem:$0x3FAE] =	sst s0;
	s0 =	simm.s32 @!p2 $0x0  }
0x16: {  	s3 =	sld [smem:$0x3FDB];
	s0 =	simm.s32 @p2 $0x1  }
0x17: {  	s4 =	simm.s32 $0x1BF5;
	[smem:$0x3FB0] =	sst s0  }
0x18: {  	s0 =	sld [smem:$0x3F93];
	_ =	swait.ge [sflag:s4], $0x0  }
0x19: {  	s7 =	sld [smem:$0x3F94]  }
0x1a: {  	s8 =	sadd.s32 $0xFFFFE003, lr  }
0x1b: {  	s9 =	sadd.s32 $0xFFFFFEF7, lr;
	s5 =	simm.s32 $0xFFFFFFFF;
	p2 =	slt.u32 s8, $0xFFFFF086  }
0x1c: {  	p1 =	slt.u32 s9, $0xF7A;
	s5 =	simm.s32 @!p2 $0x0  }
0x1d: {  	s5 =	simm.s32 @p1 $0x1;
	p0 =	seq.s32 s7, s2  }
0x1e: {  	s7 =	smul.u32 @!p0 $0xF7A, s2;
	p2 =	seq.s32 @!p0 s5, $0x0  }
0x1f: {  	s9 =	smul.u32 $0xF7A, s1;
	s8 =	simm.s32 @!p0 $0x1BF5;
	p2 =	por !p2, p0  }
0x20: {  	[sflag:s8] =	ssyncset.s32 @!p0 $0xFFFFF086;
	s6 =	sadd.s32 @!p0 s3, s7;
	s7 =	simm.s32 @!p0 $0x108  }
0x21: {  	s3 =	sadd.s32 s3, s9;
	s6 =	sadd.s32 @!p0 $0x88, s6;
	s7 =	simm.s32 @p2 $0x1082  }
0x22: {  	[simem:s7], [sflag:s8] =	dma.local @!p0 [hbm:s6], $0xF7A  }
0x23: {  	s9 =	sor.u32 $0xD0000000, s2;
	s6 =	simm.s32 $0x108;
	_ =	swait.ge @!p0 [sflag:s8], $0x0  }
0x24: {  	s3 =	sadd.s32 $0x88, s3;
	s6 =	simm.s32 @!p1 $0x1082;
	[sflag:s4] =	ssyncset.s32 $0xFFFFF086  }
0x25: {  	[simem:s6], [sflag:s4] =	dma.local [hbm:s3], $0xF7A  }
0x26: {  	[smem:$0x3F94] =	sst s1;
	(tag) =	ssettag s2;
	_ =	strace s9  }
0x27: {  	s1 =	sld [smem:$0x3FA4]  }
0x28: {  	s2 =	sld [smem:$0x3FA5]  }
0x29: {  	s4 =	sld [smem:$0x3FA7]  }
0x2a: {  	p0 =	seq.s32 s5, $0x0;
	s5 =	sld [smem:$0x3FA8]  }
0x2b: {  	s6 =	sld [smem:$0x3FA9]  }
0x2c: {  	s7 =	sld [smem:$0x3FAA]  }
0x2d: {  	s3 =	simm.s32 $0x108;
	s8 =	sld [smem:$0x3FAB]  }
0x2e: {  	s3 =	simm.s32 @!p0 $0x1082;
	s9 =	sld [smem:$0x3FAC]  }
0x2f: {  	lr =	sadd.s32 s0, s3;
	s0 =	sld [smem:$0x3FA3]  }
0x30: {  	s3 =	sld [smem:$0x3FA6]  }
0x31: {  	[smem:$0x3FAF] =	sst s10  }
0x32: {  	s10 =	sld [smem:$0x3FAD];
	_ =	sdelay $0x3  }
0x33: {  	p0 =	seq.s32 s10, $0x1;
	s10 =	sld [smem:$0x3FAF];
	_ =	sdelay $0x3  }
0x34: {  	[smem:$0x3FAF] =	sst s10  }
0x35: {  	s10 =	sld [smem:$0x3FAE];
	_ =	sdelay $0x3  }
0x36: {  	p1 =	seq.s32 s10, $0x1;
	s10 =	sld [smem:$0x3FAF];
	_ =	sdelay $0x3  }
0x37: {  	[smem:$0x3FAF] =	sst s10  }
0x38: {  	s10 =	sld [smem:$0x3FB0]  }
0x39: {  	_ = 	snop;
	(pc) =	sbr.ind lr, $3  }
0x3a: {  	_ = 	snop  }
0x3b: {  	_ = 	snop  }
0x3c: {  	p2 =	seq.s32 s10, $0x1;
	s10 =	sld [smem:$0x3FAF]  }
0x3d: {  	_ =	shalt  }
0x3e: {  	_ =	shalt  }
0x3f: {  	_ =	shalt  }
0x40: {  	_ =	shalt  }
0x41: {  	_ =	shalt  }
0x42: {  	_ =	shalt  }
0x43: {  	_ =	shalt  }
0x44: {  	_ =	shalt  }
0x45: {  	_ =	shalt  }
0x46: {  	_ =	shalt  }
0x47: {  	_ =	shalt  }
0x48: {  	_ =	shalt  }
0x49: {  	_ =	shalt  }
0x4a: {  	_ =	shalt  }
0x4b: {  	_ =	shalt  }
0x4c: {  	_ =	shalt  }
0x4d: {  	_ =	shalt  }
0x4e: {  	_ =	shalt  }
0x4f: {  	_ =	shalt  }
0x50: {  	_ =	shalt  }
0x51: {  	_ =	shalt  }
0x52: {  	_ =	shalt  }
0x53: {  	_ =	shalt  }
0x54: {  	_ =	shalt  }
0x55: {  	_ =	shalt  }
0x56: {  	_ =	shalt  }
0x57: {  	_ =	shalt  }
0x58: {  	_ =	shalt  }
0x59: {  	_ =	shalt  }
0x5a: {  	_ =	shalt  }
0x5b: {  	_ =	shalt  }
0x5c: {  	_ =	shalt  }
0x5d: {  	_ =	shalt  }
0x5e: {  	_ =	shalt  }
0x5f: {  	_ =	shalt  }
0x60: {  	_ =	shalt  }
0x61: {  	_ =	shalt  }
0x62: {  	_ =	shalt  }
0x63: {  	_ =	shalt  }
0x64: {  	_ =	shalt  }
0x65: {  	_ =	shalt  }
0x66: {  	_ =	shalt  }
0x67: {  	_ =	shalt  }
0x68: {  	_ =	shalt  }
0x69: {  	_ =	shalt  }
0x6a: {  	_ =	shalt  }
0x6b: {  	_ =	shalt  }
0x6c: {  	_ =	shalt  }
0x6d: {  	_ =	shalt  }
0x6e: {  	_ =	shalt  }
0x6f: {  	_ =	shalt  }
0x70: {  	_ =	shalt  }
0x71: {  	_ =	shalt  }
0x72: {  	_ =	shalt  }
0x73: {  	_ =	shalt  }
0x74: {  	_ =	shalt  }
0x75: {  	_ =	shalt  }
0x76: {  	_ =	shalt  }
0x77: {  	_ =	shalt  }
0x78: {  	_ =	shalt  }
0x79: {  	_ =	shalt  }
0x7a: {  	_ =	shalt  }
0x7b: {  	_ =	shalt  }
0x7c: {  	_ =	shalt  }
0x7d: {  	_ =	shalt  }
0x7e: {  	_ =	shalt  }
0x7f: {  	_ =	shalt  }
0x80: {  	_ =	shalt  }
0x81: {  	_ =	shalt  }
0x82: {  	_ =	shalt  }
0x83: {  	_ =	shalt  }
0x84: {  	_ =	shalt  }
0x85: {  	_ =	shalt  }
0x86: {  	_ =	shalt  }
0x87: {  	_ =	shalt  }
.Lfunc_end0:
.L_simem_size_0:
called_computation_lowered:
.L_overlay_start_0:
0x88: {  	s2 =	sld [smem:$0x3FD9]  }
0x89: {  	s3 =	sld [smem:$0x3FFE];
	_ =	sdelay $0x1  }
0x8a: {  	s1 =	srdreg.scid  }
0x8b: {  	s0 =	sand.u32 $0x1, s1  }
0x8c: {  	s17 =	sshll.u32 s0, $0xA;
	s2 =	sadd.s32 s3, s2  }
0x8d: {  	s2 =	sadd.s32 s2, s17  }
0x8e: {  	[smem:$0x3FBB] =	sst s2  }
0x8f: {  	_ = 	snop  }
0x90: {  	s2 =	sld [smem:$0x3FC8]  }
0x91: {  	s18 =	sld [smem:$0x3FC7];
	(tm) =	ssettm $0x1  }
0x92: {  	s4 =	sld [smem:$0x3FFB];
	_ =	sdelay $0x3  }
0x93: {  	_ =	strace s4  }
0x94: {  	s4 =	sld [smem:$0x3FFC];
	_ =	sdelay $0x3  }
0x95: {  	_ =	strace s4  }
0x96: {  	s4 =	sld [smem:$0x3FFD];
	_ =	sdelay $0x3  }
0x97: {  	_ =	strace s4  }
0x98: {  	_ =	strace $0x8FFFFFFF  }
0x99: {  	s19 =	sld [smem:$0x3FDB];
	_ =	sdelay $0x1  }
0x9a: {  	s5 =	simm.s32 $_scs_section_size  }
0x9b: {  	s6 =	simm.s32 $_size__tile_overlayer_lowered;
	s7 =	simm.s32 $_tile_overlayer_lowered  }
0x9c: {  	s22 =	simm.s32 $0x1BFF;
	s21 =	sshll.u32 s7, $0x1;
	s4 =	sadd.s32 s5, s19  }
0x9d: {  	s8 =	simm.s32 $0x0;
	s20 =	sshll.u32 s6, $0x1;
	s6 =	sadd.s32 s21, s4  }
0x9e: {  	[timem:s8], [sflag:s22] =	dma.local [hbm:s6], s20  }
0x9f: {  	_ =	swait.ge [sflag:s22], s20  }
0xa0: {  	s5 =	ssub.s32 $0x0, s20;
	[sflag:s22] =	ssyncset.done $0x0  }
0xa1: {  	[sflag:s22] =	ssyncadd.s32 s5;
	_ =	sdelay $0x1  }
0xa2: {  	s23 =	simm.s32 $0x1B8B  }
0xa3: {  	_ =	swait.ge [sflag:s23], $0x1  }
0xa4: {  	[sflag:s23] =	ssyncset.done $0x0  }
0xa5: {  	s25 =	simm.s32 $0x1B8E;
	s24 =	sld [smem:$0x3FFE];
	[sflag:s23] =	ssyncadd.s32 $0xFFFFFFFF  }
0xa6: {  	s26 =	simm.s32 $execute0_lowered;
	[smem:$0x3FD2] =	sst s25  }
0xa7: {  	s6 =	sshll.u32 s26, $0x1;
	_ =	strace $0x80000046;
	[dreg:$0x1] =	wrdreg $0xFFFFFFFF  }
0xa8: {  	s28 =	simm.s32 $_size_execute0_lowered;
	s4 =	sadd.s32 s4, s6;
	[dreg:$0x0] =	wrdreg $0x0  }
0xa9: {  	s6 =	sshll.u32 s28, $0x1;
	[dreg:$0x2] =	wrdreg s4  }
0xaa: {  	[dreg:$0x3] =	wrdreg s6  }
0xab: {  	[dreg:$0x4] =	wrdreg $0xC0  }
0xac: {  	_ =	task [dreg:s8], $0x5FFFF  }
0xad: {  	[dreg:$0x1] =	wrdreg $0xFFFFFFFF  }
0xae: {  	[dreg:$0x0] =	wrdreg $0x60  }
0xaf: {  	[dreg:$0x2] =	wrdreg s2  }
0xb0: {  	[dreg:$0x3] =	wrdreg s18  }
0xb1: {  	[dreg:$0x4] =	wrdreg s24  }
0xb2: {  	[dreg:$0x5] =	wrdreg $0x9  }
0xb3: {  	_ =	task.clear_ibuf [dreg:s8], $0x6FFFF;
	_ =	strace $0x90000046  }
0xb4: {  	s29 =	simm.s32 $0x9;
	_ =	strace $0x80000048  }
0xb5: {  	_ =	swait.ge [sflag:s29], $0x1  }
0xb6: {  	[sflag:s29] =	ssyncadd.s32 $0xFFFFFFFF  }
0xb7: {  	_ =	strace $0x90000048  }
0xb8: {  	_ =	sfence  }
0xb9: {  	s30 =	sld [smem:$0x0];
	_ =	sdelay $0x2  }
0xba: {  	s31 =	sshll.u32 s1, $0xD;
	s1 =	sshrl.u32 s1, $0x2  }
0xbb: {  	s3 =	sand.u32 $0x4000, s31;
	s1 =	sadd.s32 s1, s30  }
0xbc: {  	s0 =	sor.u32 s3, s0;
	s1 =	sshll.u32 s1, $0x11  }
0xbd: {  	s0 =	sor.u32 s1, s0  }
0xbe: {  	s0 =	sadd.s32 $0x8F2B, s0  }
0xbf: {  	[sflag:s0] =	ssyncadd.remote.s32 $0x1  }
0xc0: {  	_ =	sfence.sel $0xFFFF  }
0xc1: {  	[dreg:$0x0] =	wrdreg $0xFFFFFFFF;
	(pc) =	sbr.abs _section_cstart, $3  }
0xc2: {  	[dreg:$0x1] =	wrdreg $0xFFFFFFFF  }
0xc3: {  	_ =	task.clear_ibuf [dreg:s8], $0x2FFFF;
	_ =	strace $0x9FFFFFFF  }
0xc4: {  	(tm) =	ssettm $0x7FFFFFFF  }
0xc5: {  	_ =	shalt  }
tec
execute0_lowered:
.L_overlay_start_1:
0x0: {  	(tag) =	ssettag $0x1  }
0x1: {  	s1 =	rddreg [dreg:$0x0]  }
0x2: {  	s2 =	rddreg [dreg:$0x1]  }
0x3: {  	s5 =	rddreg [dreg:$0x2]  }
0x4: {  	s0 =	rddreg [dreg:$0x3];
	s6 =	srdreg.scid  }
0x5: {  	s4 =	simm.s32 $0x0;
	s3 =	stileid.u32;
	s10 =	simm.s32 $0x4000  }
0x6: {  	s11 =	simm.s32 $0x1;
	s12 =	simm.s32 $0x1C700;
	s6 =	sand.u32 $0x1, s6  }
0x7: {  	[smem:$0x7FF] =	sst s4;
	s8 =	sshll.u32 s3, $0x1;
	s7 =	ssub.s32 $0x2, s6  }
0x8: {  	s5 =	sadd.s32 $0x1C00, s5;
	_ =	strace $0x80000047;
	s9 =	sshrl.u32 s7, $0x1  }
0x9: {  	s6 =	sor.u32 s6, s8;
	s8 =	simm.s32 $0x80;
	s7 =	ssub.s32 s7, s9  }
0xa: {  	s6 =	smul.u32 $0x7, s6;
	s9 =	simm.s32 $0x400;
	s7 =	smax.u32 s7, $0x1  }
.LBB2_1:
0xb: {  	s14 =	simm.s32 $0xFFFFFFFF;
	s13 =	simm.s32 $0x0  }
.LBB2_2:
0xc: {  	s16 =	sadd.s32 s6, s13  }
0xd: {  	s15 =	smov.u32 s14;
	s14 =	sshrl.u32 s16, $0x4  }
0xe: {  	s29 =	sshrl.u32 s16, $0x3;
	s30 =	sshll.u32 s16, $0x7;
	p0 =	seq.s32 s14, s15  }
0xf: {  	s31 =	smul.u32 $0xC3800, s29;
	s15 =	sshll.u32 @!p0 s14, $0xB;
	s17 =	sand.u32 @!p0 $0x70, s16  }
0x10: {  	s18 =	simm.s32 @!p0 $0x400;
	s15 =	sand.u32 @!p0 $0xFFFC000, s15;
	s17 =	sadd.s32 @!p0 s1, s17  }
0x11: {  	s19 =	simm.s32 @!p0 $0x0;
	s15 =	sadd.s32 @!p0 s15, s17;
	s17 =	simm.s32 @!p0 $0x80  }
0x12: {  	[tilespmem:s19], [sflag:$0x1] =	stream.strided.gather @!p0 [hbm4b:s15+s17], $0x4000, s18, s17, $0x38;
	[tilespmem:$0x1E700] =	vst v63  }
0x13: {  	s18 =	simm.s32 @!p0 $0x1;
	s15 =	sand.u32 $0x380, s30  }
0x14: {  	_ =	swait.ge @!p0 [sflag:s18], $0x4000;
	s16 =	sor.u32 s15, s31  }
0x15: {  	[sflag:s18] =	ssyncset.done @!p0 $0x0;
	s16 =	sshrl.u32 s16, $0x3  }
0x16: {  	[sflag:s18] =	ssyncadd.s32 @!p0 $0xFFFFC000;
	s16 =	sadd.s32 s2, s16  }
0x17: {  	[tilespmem:s10], [sflag:$0x1] =	stream.strided.gather [hbm4b:s16+s8], $0x18700, s9, s8, $0x38;
	[tilespmem:$0x1E700] =	vst v63  }
0x18: {  	_ =	swait.ge [sflag:s11], $0x18700  }
0x19: {  	p1 =	por $0x1, $0x1;
	[sflag:s11] =	ssyncset.done $0x0  }
0x1a: {  	s17 =	simm.s32 $0x0;
	s16 =	sshll.u32 s29, $0x11;
	[sflag:s11] =	ssyncadd.s32 $0xFFFE7900  }
.LBB2_3:
0x1b: {  	s18 =	sshll.u32 s17, $0xD  }
0x1c: {  	s18 =	sand.u32 $0x3FFFE000, s18  }
0x1d: {  	s20 =	sor.u32 $0x80, s18  }
0x1e: {  	v0 =	vld [tilespmem:s20+$0x70]  }
0x1f: {  	v1 =	vld [tilespmem:s20+$0xFFFFFF90]  }
0x20: {  	v2 =	vld [tilespmem:s20+$0xFFFFFFA0]  }
0x21: {  	v3 =	vld [tilespmem:s20+$0xFFFFFFB0]  }
0x22: {  	v4 =	vld [tilespmem:s20+$0xFFFFFFC0]  }
0x23: {  	v5 =	vld [tilespmem:s20+$0xFFFFFFD0]  }
0x24: {  	v6 =	vld [tilespmem:s20+$0xFFFFFFE0]  }
0x25: {  	v7 =	vld [tilespmem:s20+$0xFFFFFFF0]  }
0x26: {  	v8 =	vld [tilespmem:s20+$0x0]  }
0x27: {  	v9 =	vld [tilespmem:s20+$0x10]  }
0x28: {  	v10 =	vld [tilespmem:s20+$0x20]  }
0x29: {  	v11 =	vld [tilespmem:s20+$0x30]  }
0x2a: {  	v12 =	vld [tilespmem:s20+$0x40]  }
0x2b: {  	v13 =	vld [tilespmem:s20+$0x50]  }
0x2c: {  	v14 =	vld [tilespmem:s20+$0x60]  }
0x2d: {  	v15 =	vld [tilespmem:s20+$0xFFFFFF80]  }
0x2e: {  	v0 =	vld.idx.msk [tilespmem:v0+s10+$0x0], $0xffff  }
0x2f: {  	v1 =	vld.idx.msk [tilespmem:v1+s10+$0x0], $0xffff  }
0x30: {  	v2 =	vld.idx.msk [tilespmem:v2+s10+$0x0], $0xffff  }
0x31: {  	v3 =	vld.idx.msk [tilespmem:v3+s10+$0x0], $0xffff  }
0x32: {  	v4 =	vld.idx.msk [tilespmem:v4+s10+$0x0], $0xffff  }
0x33: {  	s18 =	simm.s32 $0x1C780;
	v5 =	vld.idx.msk [tilespmem:v5+s10+$0x0], $0xffff  }
0x34: {  	v6 =	vld.idx.msk [tilespmem:v6+s10+$0x0], $0xffff;
	[tilespmem:s18+$0x70] =	vst v0  }
0x35: {  	v7 =	vld.idx.msk [tilespmem:v7+s10+$0x0], $0xffff;
	[tilespmem:s18+$0xFFFFFF90] =	vst v1  }
0x36: {  	v15 =	vld.idx.msk [tilespmem:v15+s10+$0x0], $0xffff;
	[tilespmem:s18+$0xFFFFFFA0] =	vst v2  }
0x37: {  	v8 =	vld.idx.msk [tilespmem:v8+s10+$0x0], $0xffff;
	[tilespmem:s18+$0xFFFFFFB0] =	vst v3  }
0x38: {  	[tilespmem:s18+$0xFFFFFFC0] =	vst v4;
	v0 =	vld.idx.msk [tilespmem:v9+s10+$0x0], $0xffff  }
0x39: {  	[tilespmem:s18+$0xFFFFFFD0] =	vst v5;
	v1 =	vld.idx.msk [tilespmem:v10+s10+$0x0], $0xffff  }
0x3a: {  	[tilespmem:s18+$0xFFFFFFE0] =	vst v6;
	v2 =	vld.idx.msk [tilespmem:v11+s10+$0x0], $0xffff  }
0x3b: {  	[tilespmem:s18+$0xFFFFFFF0] =	vst v7;
	v3 =	vld.idx.msk [tilespmem:v12+s10+$0x0], $0xffff  }
0x3c: {  	[tilespmem:s18+$0xFFFFFF80] =	vst v15;
	v4 =	vld.idx.msk [tilespmem:v13+s10+$0x0], $0xffff  }
0x3d: {  	p0 =	por p1, p1;
	s19 =	simm.s32 $0x0;
	s20 =	sadd.s32 $0x100, s20;
	[tilespmem:s18+$0x0] =	vst v8;
	v5 =	vld.idx.msk [tilespmem:v14+s10+$0x0], $0xffff  }
.LBB2_4:
0x3e: {  	v6 =	vld [tilespmem:s20+$0x70];
	s19 =	sadd.s32 $0x100, s19;
	[tilespmem:s18+$0x10] =	vst v0  }
0x3f: {  	v0 =	vld [tilespmem:s20+$0xFFFFFF90];
	p1 =	slt.u32 s19, $0x1F00;
	[tilespmem:s18+$0x20] =	vst v1  }
0x40: {  	v1 =	vld [tilespmem:s20+$0xFFFFFFA0];
	[tilespmem:s18+$0x30] =	vst v2  }
0x41: {  	v2 =	vld [tilespmem:s20+$0xFFFFFFB0];
	[tilespmem:s18+$0x40] =	vst v3  }
0x42: {  	v3 =	vld [tilespmem:s20+$0xFFFFFFC0];
	[tilespmem:s18+$0x50] =	vst v4  }
0x43: {  	v4 =	vld [tilespmem:s20+$0xFFFFFFD0];
	[tilespmem:s18+$0x60] =	vst v5  }
0x44: {  	v5 =	vld [tilespmem:s20+$0xFFFFFFE0]  }
0x45: {  	v7 =	vld [tilespmem:s20+$0xFFFFFFF0]  }
0x46: {  	v6 =	vld.idx.msk [tilespmem:v6+s10+$0x0], $0xffff  }
0x47: {  	v8 =	vld [tilespmem:s20+$0x0]  }
0x48: {  	v9 =	vld [tilespmem:s20+$0x10]  }
0x49: {  	v10 =	vld [tilespmem:s20+$0x20]  }
0x4a: {  	v11 =	vld [tilespmem:s20+$0x30]  }
0x4b: {  	s18 =	sadd.s32 $0x100, s18;
	v12 =	vld [tilespmem:s20+$0x40]  }
0x4c: {  	v13 =	vld [tilespmem:s20+$0x50];
	[tilespmem:s18+$0x70] =	vst v6  }
0x4d: {  	v6 =	vld [tilespmem:s20+$0x60]  }
0x4e: {  	v14 =	vld [tilespmem:s20+$0xFFFFFF80]  }
0x4f: {  	v0 =	vld.idx.msk [tilespmem:v0+s10+$0x0], $0xffff  }
0x50: {  	v1 =	vld.idx.msk [tilespmem:v1+s10+$0x0], $0xffff  }
0x51: {  	v2 =	vld.idx.msk [tilespmem:v2+s10+$0x0], $0xffff  }
0x52: {  	v3 =	vld.idx.msk [tilespmem:v3+s10+$0x0], $0xffff  }
0x53: {  	v4 =	vld.idx.msk [tilespmem:v4+s10+$0x0], $0xffff  }
0x54: {  	v5 =	vld.idx.msk [tilespmem:v5+s10+$0x0], $0xffff  }
0x55: {  	[tilespmem:s18+$0xFFFFFF90] =	vst v0;
	v7 =	vld.idx.msk [tilespmem:v7+s10+$0x0], $0xffff  }
0x56: {  	v14 =	vld.idx.msk [tilespmem:v14+s10+$0x0], $0xffff;
	[tilespmem:s18+$0xFFFFFFA0] =	vst v1  }
0x57: {  	[tilespmem:s18+$0xFFFFFFB0] =	vst v2;
	v8 =	vld.idx.msk [tilespmem:v8+s10+$0x0], $0xffff  }
0x58: {  	[tilespmem:s18+$0xFFFFFFC0] =	vst v3;
	v0 =	vld.idx.msk [tilespmem:v9+s10+$0x0], $0xffff  }
.Ltmp0:
0x59: {  	[tilespmem:s18+$0xFFFFFFD0] =	vst v4;
	v1 =	vld.idx.msk [tilespmem:v10+s10+$0x0], $0xffff;
	(pc) =	sbr.rel @p1 .LBB2_4-.Ltmp0, $4  }
0x5a: {  	[tilespmem:s18+$0xFFFFFFE0] =	vst v5;
	v2 =	vld.idx.msk [tilespmem:v11+s10+$0x0], $0xffff  }
0x5b: {  	[tilespmem:s18+$0xFFFFFFF0] =	vst v7;
	v3 =	vld.idx.msk [tilespmem:v12+s10+$0x0], $0xffff  }
0x5c: {  	[tilespmem:s18+$0xFFFFFF80] =	vst v14;
	v4 =	vld.idx.msk [tilespmem:v13+s10+$0x0], $0xffff  }
0x5d: {  	s20 =	sadd.s32 $0x100, s20;
	[tilespmem:s18+$0x0] =	vst v8;
	v5 =	vld.idx.msk [tilespmem:v6+s10+$0x0], $0xffff  }
0x5e: {  	[tilespmem:s18+$0x10] =	vst v0  }
0x5f: {  	[tilespmem:s18+$0x20] =	vst v1;
	s17 =	sshll.u32 s17, $0x10  }
0x60: {  	[tilespmem:s18+$0x30] =	vst v2;
	s17 =	sor.u32 s17, s16  }
0x61: {  	[tilespmem:s18+$0x40] =	vst v3;
	s17 =	sor.u32 s15, s17  }
0x62: {  	[tilespmem:s18+$0x50] =	vst v4;
	s17 =	sshrl.u32 s17, $0x3  }
0x63: {  	[tilespmem:s18+$0x60] =	vst v5;
	s17 =	sadd.s32 s5, s17  }
0x64: {  	[hbm4b:s17+s8] =	stream.strided.scatter [tilespmem:s12], [sflag:$0x1], $0x2000, s9, s8, $0x38;
	[tilespmem:$0x1E700] =	vst v63  }
.Ltmp1:
0x65: {  	_ = 	snop;
	(pc) =	sbr.rel @p0 .LBB2_3-.Ltmp1, $4  }
0x66: {  	s17 =	simm.s32 $0x1  }
0x67: {  	_ =	swait.ge [sflag:s17], $0x2000  }
0x68: {  	[sflag:s17] =	ssyncset.done $0x0  }
0x69: {  	p1 =	por $0x0, $0x0;
	[sflag:s17] =	ssyncadd.s32 $0xFFFFE000  }
0x6a: {  	s13 =	sadd.s32 $0x1, s13  }
0x6b: {  	p0 =	sne.s32 s13, $0x7  }
.Ltmp2:
0x6c: {  	_ = 	snop;
	(pc) =	sbr.rel @p0 .LBB2_2-.Ltmp2, $1  }
0x6d: {  	_ =	sdelay $0x3  }
0x6e: {  	s4 =	sadd.s32 $0x1, s4  }
0x6f: {  	p0 =	sne.s32 s4, s7  }
.Ltmp3:
0x70: {  	_ = 	snop;
	(pc) =	sbr.rel @p0 .LBB2_1-.Ltmp3, $1  }
0x71: {  	_ =	sdelay $0x3  }
0x72: {  	_ =	sfence.sel $0x180000  }
0x73: {  	[bflag:$0x0] =	sbarrier.arrive $0xFFFF  }
0x74: {  	p0 =	sne.s32 s3, $0x0;
	_ =	strace $0x90000047  }
0x75: {  	s0 =	sadd.s32 @!p0 $0x100000, s0;
	[bflag:$0x2] =	sbarrier.arrive $0xFFFF  }
0x76: {  	[sflag:s0] =	ssyncadd.tile.s32 @!p0 $0x1;
	_ =	shalt  }
.Lfunc_end2:
_tile_overlayer_lowered:
.L_overlay_start_2:
0x77: {  	(tag) =	ssettag $0x2  }
0x78: {  	s0 =	rddreg [dreg:$0x0];
	s2 =	stileid.u32  }
0x79: {  	s1 =	rddreg [dreg:$0x1];
	p0 =	sne.s32 s2, $0x0  }
0x7a: {  	s3 =	rddreg [dreg:$0x2];
	[bflag:$0x3] =	sbarrier.arrive $0xFFFF;
	s2 =	simm.s32 @!p0 $0x1C01  }
0x7b: {  	[timem:s3], [sflag:s2] =	dma.local @!p0 [hbm:s0], s1  }
0x7c: {  	s0 =	simm.s32 @!p0 $0x1  }
0x7d: {  	_ =	swait.ge @!p0 [sflag:s0], s1  }
0x7e: {  	s1 =	ssub.s32 @!p0 $0x0, s1;
	[sflag:s0] =	ssyncset.done @!p0 $0x0  }
0x7f: {  	[sflag:s0] =	ssyncadd.s32 @!p0 s1  }
0x80: {  	[bflag:$0x3] =	sbarrier.arrive $0xFFFF  }
0x81: {  	_ =	shalt  }

// kernel: kernel.9.cloned.1.call-start
scs
__scs_entry_jumppad:
0x0: {  	(pc) =	sbr.rel $0x88, $3  }
0x1: {  	(tag) =	ssettag $0x0;
	lr =	simm.s32 $0x1  }
0x2: {  	[smem:$0x3F94] =	sst lr;
	_ =	strace $0xD0000000  }
0x3: {  	_ = 	snop  }
0x4: {  	_ = 	snop  }
0x5: {  	_ = 	snop  }
0x6: {  	_ = 	snop  }
0x7: {  	_ = 	snop  }
__scs_overlays_trampoline_lowered:
0x8: {  	[smem:$0x3FA3] =	sst s0  }
0x9: {  	[smem:$0x3FA4] =	sst s1  }
0xa: {  	[smem:$0x3FA5] =	sst s2  }
0xb: {  	[smem:$0x3FA6] =	sst s3  }
0xc: {  	[smem:$0x3FA7] =	sst s4  }
0xd: {  	[smem:$0x3FA8] =	sst s5  }
0xe: {  	[smem:$0x3FA9] =	sst s6  }
0xf: {  	[smem:$0x3FAA] =	sst s7  }
0x10: {  	[smem:$0x3FAB] =	sst s8  }
0x11: {  	[smem:$0x3FAC] =	sst s9;
	s0 =	simm.s32 @!p0 $0x0  }
0x12: {  	s1 =	sld [smem:$0x3F92];
	s0 =	simm.s32 @p0 $0x1  }
0x13: {  	[smem:$0x3FAD] =	sst s0;
	s0 =	simm.s32 @!p1 $0x0  }
0x14: {  	s2 =	sld [smem:$0x3F91];
	s0 =	simm.s32 @p1 $0x1  }
0x15: {  	[smem:$0x3FAE] =	sst s0;
	s0 =	simm.s32 @!p2 $0x0  }
0x16: {  	s3 =	sld [smem:$0x3FDB];
	s0 =	simm.s32 @p2 $0x1  }
0x17: {  	s4 =	simm.s32 $0x1BF5;
	[smem:$0x3FB0] =	sst s0  }
0x18: {  	s0 =	sld [smem:$0x3F93];
	_ =	swait.ge [sflag:s4], $0x0  }
0x19: {  	s7 =	sld [smem:$0x3F94]  }
0x1a: {  	s8 =	sadd.s32 $0xFFFFE003, lr  }
0x1b: {  	s9 =	sadd.s32 $0xFFFFFEF7, lr;
	s5 =	simm.s32 $0xFFFFFFFF;
	p2 =	slt.u32 s8, $0xFFFFF086  }
0x1c: {  	p1 =	slt.u32 s9, $0xF7A;
	s5 =	simm.s32 @!p2 $0x0  }
0x1d: {  	s5 =	simm.s32 @p1 $0x1;
	p0 =	seq.s32 s7, s2  }
0x1e: {  	s7 =	smul.u32 @!p0 $0xF7A, s2;
	p2 =	seq.s32 @!p0 s5, $0x0  }
0x1f: {  	s9 =	smul.u32 $0xF7A, s1;
	s8 =	simm.s32 @!p0 $0x1BF5;
	p2 =	por !p2, p0  }
0x20: {  	[sflag:s8] =	ssyncset.s32 @!p0 $0xFFFFF086;
	s6 =	sadd.s32 @!p0 s3, s7;
	s7 =	simm.s32 @!p0 $0x108  }
0x21: {  	s3 =	sadd.s32 s3, s9;
	s6 =	sadd.s32 @!p0 $0x88, s6;
	s7 =	simm.s32 @p2 $0x1082  }
0x22: {  	[simem:s7], [sflag:s8] =	dma.local @!p0 [hbm:s6], $0xF7A  }
0x23: {  	s9 =	sor.u32 $0xD0000000, s2;
	s6 =	simm.s32 $0x108;
	_ =	swait.ge @!p0 [sflag:s8], $0x0  }
0x24: {  	s3 =	sadd.s32 $0x88, s3;
	s6 =	simm.s32 @!p1 $0x1082;
	[sflag:s4] =	ssyncset.s32 $0xFFFFF086  }
0x25: {  	[simem:s6], [sflag:s4] =	dma.local [hbm:s3], $0xF7A  }
0x26: {  	[smem:$0x3F94] =	sst s1;
	(tag) =	ssettag s2;
	_ =	strace s9  }
0x27: {  	s1 =	sld [smem:$0x3FA4]  }
0x28: {  	s2 =	sld [smem:$0x3FA5]  }
0x29: {  	s4 =	sld [smem:$0x3FA7]  }
0x2a: {  	p0 =	seq.s32 s5, $0x0;
	s5 =	sld [smem:$0x3FA8]  }
0x2b: {  	s6 =	sld [smem:$0x3FA9]  }
0x2c: {  	s7 =	sld [smem:$0x3FAA]  }
0x2d: {  	s3 =	simm.s32 $0x108;
	s8 =	sld [smem:$0x3FAB]  }
0x2e: {  	s3 =	simm.s32 @!p0 $0x1082;
	s9 =	sld [smem:$0x3FAC]  }
0x2f: {  	lr =	sadd.s32 s0, s3;
	s0 =	sld [smem:$0x3FA3]  }
0x30: {  	s3 =	sld [smem:$0x3FA6]  }
0x31: {  	[smem:$0x3FAF] =	sst s10  }
0x32: {  	s10 =	sld [smem:$0x3FAD];
	_ =	sdelay $0x3  }
0x33: {  	p0 =	seq.s32 s10, $0x1;
	s10 =	sld [smem:$0x3FAF];
	_ =	sdelay $0x3  }
0x34: {  	[smem:$0x3FAF] =	sst s10  }
0x35: {  	s10 =	sld [smem:$0x3FAE];
	_ =	sdelay $0x3  }
0x36: {  	p1 =	seq.s32 s10, $0x1;
	s10 =	sld [smem:$0x3FAF];
	_ =	sdelay $0x3  }
0x37: {  	[smem:$0x3FAF] =	sst s10  }
0x38: {  	s10 =	sld [smem:$0x3FB0]  }
0x39: {  	_ = 	snop;
	(pc) =	sbr.ind lr, $3  }
0x3a: {  	_ = 	snop  }
0x3b: {  	_ = 	snop  }
0x3c: {  	p2 =	seq.s32 s10, $0x1;
	s10 =	sld [smem:$0x3FAF]  }
0x3d: {  	_ =	shalt  }
0x3e: {  	_ =	shalt  }
0x3f: {  	_ =	shalt  }
0x40: {  	_ =	shalt  }
0x41: {  	_ =	shalt  }
0x42: {  	_ =	shalt  }
0x43: {  	_ =	shalt  }
0x44: {  	_ =	shalt  }
0x45: {  	_ =	shalt  }
0x46: {  	_ =	shalt  }
0x47: {  	_ =	shalt  }
0x48: {  	_ =	shalt  }
0x49: {  	_ =	shalt  }
0x4a: {  	_ =	shalt  }
0x4b: {  	_ =	shalt  }
0x4c: {  	_ =	shalt  }
0x4d: {  	_ =	shalt  }
0x4e: {  	_ =	shalt  }
0x4f: {  	_ =	shalt  }
0x50: {  	_ =	shalt  }
0x51: {  	_ =	shalt  }
0x52: {  	_ =	shalt  }
0x53: {  	_ =	shalt  }
0x54: {  	_ =	shalt  }
0x55: {  	_ =	shalt  }
0x56: {  	_ =	shalt  }
0x57: {  	_ =	shalt  }
0x58: {  	_ =	shalt  }
0x59: {  	_ =	shalt  }
0x5a: {  	_ =	shalt  }
0x5b: {  	_ =	shalt  }
0x5c: {  	_ =	shalt  }
0x5d: {  	_ =	shalt  }
0x5e: {  	_ =	shalt  }
0x5f: {  	_ =	shalt  }
0x60: {  	_ =	shalt  }
0x61: {  	_ =	shalt  }
0x62: {  	_ =	shalt  }
0x63: {  	_ =	shalt  }
0x64: {  	_ =	shalt  }
0x65: {  	_ =	shalt  }
0x66: {  	_ =	shalt  }
0x67: {  	_ =	shalt  }
0x68: {  	_ =	shalt  }
0x69: {  	_ =	shalt  }
0x6a: {  	_ =	shalt  }
0x6b: {  	_ =	shalt  }
0x6c: {  	_ =	shalt  }
0x6d: {  	_ =	shalt  }
0x6e: {  	_ =	shalt  }
0x6f: {  	_ =	shalt  }
0x70: {  	_ =	shalt  }
0x71: {  	_ =	shalt  }
0x72: {  	_ =	shalt  }
0x73: {  	_ =	shalt  }
0x74: {  	_ =	shalt  }
0x75: {  	_ =	shalt  }
0x76: {  	_ =	shalt  }
0x77: {  	_ =	shalt  }
0x78: {  	_ =	shalt  }
0x79: {  	_ =	shalt  }
0x7a: {  	_ =	shalt  }
0x7b: {  	_ =	shalt  }
0x7c: {  	_ =	shalt  }
0x7d: {  	_ =	shalt  }
0x7e: {  	_ =	shalt  }
0x7f: {  	_ =	shalt  }
0x80: {  	_ =	shalt  }
0x81: {  	_ =	shalt  }
0x82: {  	_ =	shalt  }
0x83: {  	_ =	shalt  }
0x84: {  	_ =	shalt  }
0x85: {  	_ =	shalt  }
0x86: {  	_ =	shalt  }
0x87: {  	_ =	shalt  }
.Lfunc_end0:
.L_simem_size_0:
called_computation.1_lowered:
.L_overlay_start_0:
0x88: {  	s2 =	sld [smem:$0x3FD9]  }
0x89: {  	s3 =	sld [smem:$0x3FFE];
	_ =	sdelay $0x1  }
0x8a: {  	s1 =	srdreg.scid  }
0x8b: {  	s0 =	sand.u32 $0x1, s1  }
0x8c: {  	s17 =	sshll.u32 s0, $0xA;
	s2 =	sadd.s32 s3, s2  }
0x8d: {  	s2 =	sadd.s32 s2, s17  }
0x8e: {  	[smem:$0x3FBB] =	sst s2  }
0x8f: {  	_ = 	snop  }
0x90: {  	s18 =	sld [smem:$0x3FC8]  }
0x91: {  	s4 =	sld [smem:$0x3FC7];
	(tm) =	ssettm $0x1  }
0x92: {  	s19 =	sld [smem:$0x3FFB];
	_ =	sdelay $0x3  }
0x93: {  	_ =	strace s19  }
0x94: {  	s2 =	sld [smem:$0x3FFC];
	_ =	sdelay $0x3  }
0x95: {  	_ =	strace s2  }
0x96: {  	s2 =	sld [smem:$0x3FFD];
	_ =	sdelay $0x3  }
0x97: {  	_ =	strace s2  }
0x98: {  	_ =	strace $0x8FFFFFFF  }
0x99: {  	s20 =	sld [smem:$0x3FDB];
	_ =	sdelay $0x1  }
0x9a: {  	s5 =	simm.s32 $_scs_section_size  }
0x9b: {  	s6 =	simm.s32 $_size__tile_overlayer_lowered;
	s7 =	simm.s32 $_tile_overlayer_lowered  }
0x9c: {  	s8 =	simm.s32 $0x1BFF;
	s21 =	sshll.u32 s7, $0x1;
	s5 =	sadd.s32 s5, s20  }
0x9d: {  	s22 =	simm.s32 $0x0;
	s6 =	sshll.u32 s6, $0x1;
	s7 =	sadd.s32 s21, s5  }
0x9e: {  	[timem:s22], [sflag:s8] =	dma.local [hbm:s7], s6  }
0x9f: {  	_ =	swait.ge [sflag:s8], s6  }
0xa0: {  	s6 =	ssub.s32 $0x0, s6;
	[sflag:s8] =	ssyncset.done $0x0  }
0xa1: {  	[sflag:s8] =	ssyncadd.s32 s6;
	_ =	sdelay $0x1  }
0xa2: {  	s23 =	simm.s32 $0x1B8B  }
0xa3: {  	_ =	swait.ge [sflag:s23], $0x1  }
0xa4: {  	[sflag:s23] =	ssyncset.done $0x0  }
0xa5: {  	[sflag:s23] =	ssyncadd.s32 $0xFFFFFFFF  }
0xa6: {  	s6 =	sld [smem:$0x0]  }
0xa7: {  	s7 =	sand.u32 $0xFFFFFFFE, s1  }
0xa8: {  	p0 =	sne.s32 s1, s7  }
0xa9: {  	s7 =	sshll.u32 @p0 s7, $0xE  }
0xaa: {  	s7 =	sadd.s32 @p0 $0x11B8D, s7;
	s8 =	sshll.u32 @p0 s6, $0x11  }
0xab: {  	s7 =	sor.u32 @p0 s8, s7  }
0xac: {  	[sflag:s7] =	ssyncadd.remote.s32 @p0 $0x1;
	_ =	sdelay $0x1  }
0xad: {  	s7 =	simm.s32 @p0 $0x1B8D  }
0xae: {  	_ =	swait.eq @p0 [sflag:s7], $0x1  }
0xaf: {  	[sflag:s7] =	ssyncadd.s32 @p0 $0xFFFFFFFF  }
0xb0: {  	s8 =	sshll.u32 @!p0 s1, $0xE  }
0xb1: {  	s8 =	sor.u32 @!p0 $0x4000, s8;
	s7 =	simm.s32 @!p0 $0x1B8D  }
0xb2: {  	s6 =	sshll.u32 @!p0 s6, $0x11;
	s8 =	sadd.s32 @!p0 $0x11B8D, s8;
	_ =	swait.eq @!p0 [sflag:s7], $0x1  }
0xb3: {  	s6 =	sor.u32 @!p0 s6, s8;
	[sflag:s7] =	ssyncadd.s32 @!p0 $0xFFFFFFFF  }
0xb4: {  	s25 =	simm.s32 $0x1B8E;
	s24 =	sld [smem:$0x3FFE];
	[sflag:s6] =	ssyncadd.remote.s32 @!p0 $0x1  }
0xb5: {  	s26 =	simm.s32 $execute0_lowered;
	[smem:$0x3FD2] =	sst s25  }
0xb6: {  	s7 =	sshll.u32 s26, $0x1;
	_ =	strace $0x80000049;
	[dreg:$0x1] =	wrdreg $0xFFFFFFFF  }
0xb7: {  	s28 =	simm.s32 $_size_execute0_lowered;
	s5 =	sadd.s32 s5, s7;
	[dreg:$0x0] =	wrdreg $0x0  }
0xb8: {  	s7 =	sshll.u32 s28, $0x1;
	[dreg:$0x2] =	wrdreg s5  }
0xb9: {  	[dreg:$0x3] =	wrdreg s7  }
0xba: {  	[dreg:$0x4] =	wrdreg $0xC0  }
0xbb: {  	_ =	task [dreg:s22], $0x5FFFF  }
0xbc: {  	[dreg:$0x1] =	wrdreg $0xFFFFFFFF  }
0xbd: {  	[dreg:$0x0] =	wrdreg $0x60  }
0xbe: {  	[dreg:$0x2] =	wrdreg s18  }
0xbf: {  	[dreg:$0x3] =	wrdreg s4  }
0xc0: {  	[dreg:$0x4] =	wrdreg s24  }
0xc1: {  	[dreg:$0x5] =	wrdreg $0xA  }
0xc2: {  	_ =	task.clear_ibuf [dreg:s22], $0x6FFFF;
	_ =	strace $0x90000049  }
0xc3: {  	s29 =	simm.s32 $0xA;
	_ =	strace $0x8000004B  }
0xc4: {  	_ =	swait.ge [sflag:s29], $0x1  }
0xc5: {  	[sflag:s29] =	ssyncadd.s32 $0xFFFFFFFF  }
0xc6: {  	_ =	strace $0x9000004B  }
0xc7: {  	_ =	sfence  }
0xc8: {  	s30 =	sld [smem:$0x0];
	_ =	sdelay $0x2  }
0xc9: {  	s31 =	sshll.u32 s1, $0xD;
	s1 =	sshrl.u32 s1, $0x2  }
0xca: {  	s4 =	sand.u32 $0x4000, s31;
	s1 =	sadd.s32 s1, s30  }
0xcb: {  	s0 =	sor.u32 s4, s0;
	s1 =	sshll.u32 s1, $0x11  }
0xcc: {  	s0 =	sor.u32 s1, s0  }
0xcd: {  	s0 =	sadd.s32 $0x8F2B, s0  }
0xce: {  	[sflag:s0] =	ssyncadd.remote.s32 $0x1  }
0xcf: {  	_ =	sfence.sel $0xFFFF  }
0xd0: {  	[dreg:$0x0] =	wrdreg $0xFFFFFFFF;
	(pc) =	sbr.abs _section_cstart, $3  }
0xd1: {  	[dreg:$0x1] =	wrdreg $0xFFFFFFFF  }
0xd2: {  	_ =	task.clear_ibuf [dreg:s22], $0x2FFFF;
	_ =	strace $0x9FFFFFFF  }
0xd3: {  	(tm) =	ssettm $0x7FFFFFFF  }
tec
execute0_lowered:
.L_overlay_start_1:
0x0: {  	(tag) =	ssettag $0x1  }
0x1: {  	s1 =	rddreg [dreg:$0x0]  }
0x2: {  	s3 =	rddreg [dreg:$0x1];
	s2 =	srdreg.scid  }
0x3: {  	s0 =	stileid.u32;
	s6 =	rddreg [dreg:$0x2];
	s4 =	simm.s32 $0x0  }
0x4: {  	s9 =	simm.s32 $0x80;
	s10 =	simm.s32 $0x400;
	s11 =	simm.s32 $0x4000  }
0x5: {  	s12 =	simm.s32 $0x1;
	s5 =	sand.u32 $0x1, s2;
	s7 =	sshll.u32 s0, $0x1  }
0x6: {  	s13 =	simm.s32 $0x1C700;
	s7 =	sor.u32 s5, s7;
	s8 =	ssub.s32 $0x2, s5  }
0x7: {  	s2 =	rddreg [dreg:$0x3];
	s5 =	smul.u32 $0x6, s7;
	s31 =	sshrl.u32 s8, $0x1  }
0x8: {  	[smem:$0x7FF] =	sst s4;
	s6 =	sadd.s32 $0x71C00, s6;
	s8 =	ssub.s32 s8, s31  }
0x9: {  	_ =	strace $0x8000004A;
	s7 =	sadd.s32 $0xE0, s5;
	s8 =	smax.u32 s8, $0x1  }
.LBB2_1:
0xa: {  	s15 =	simm.s32 $0xFFFFFFFF;
	s14 =	simm.s32 $0x0  }
.LBB2_2:
0xb: {  	s17 =	sadd.s32 s14, s7  }
0xc: {  	s16 =	smov.u32 s15;
	s15 =	sshrl.u32 s17, $0x4  }
0xd: {  	p0 =	seq.s32 s15, s16  }
0xe: {  	s16 =	sshll.u32 @!p0 s15, $0xE;
	s18 =	sshll.u32 @!p0 s15, $0x7  }
0xf: {  	s16 =	sand.u32 @!p0 $0xFFFE0000, s16;
	s18 =	sand.u32 @!p0 $0x380, s18  }
0x10: {  	s16 =	sor.u32 @!p0 s18, s16  }
0x11: {  	s29 =	sshrl.u32 s17, $0x3;
	s19 =	simm.s32 @!p0 $0x400;
	s16 =	sshrl.u32 @!p0 s16, $0x3  }
0x12: {  	s20 =	simm.s32 @!p0 $0x0;
	s18 =	simm.s32 @!p0 $0x80;
	s16 =	sadd.s32 @!p0 s1, s16  }
0x13: {  	[tilespmem:s20], [sflag:$0x1] =	stream.strided.gather @!p0 [hbm4b:s16+s18], $0x4000, s19, s18, $0x38;
	[tilespmem:$0x1E700] =	vst v63  }
0x14: {  	s17 =	sshll.u32 s17, $0x7;
	s16 =	smul.u32 $0xC3800, s29  }
0x15: {  	s17 =	sand.u32 $0x380, s17;
	s18 =	simm.s32 @!p0 $0x1  }
0x16: {  	s30 =	sadd.s32 s5, s14;
	_ =	swait.ge @!p0 [sflag:s18], $0x4000;
	s16 =	sor.u32 s17, s16  }
0x17: {  	p1 =	por $0x1, $0x1;
	[sflag:s18] =	ssyncset.done @!p0 $0x0;
	s16 =	sshrl.u32 s16, $0x3  }
0x18: {  	s31 =	sshll.u32 s30, $0xB;
	[sflag:s18] =	ssyncadd.s32 @!p0 $0xFFFFC000;
	s16 =	sadd.s32 s3, s16  }
0x19: {  	[tilespmem:s11], [sflag:$0x1] =	stream.strided.gather [hbm4b:s16+s9], $0x18700, s10, s9, $0x38;
	[tilespmem:$0x1E700] =	vst v63  }
0x1a: {  	s17 =	sand.u32 $0xFFFC000, s31;
	s16 =	sshll.u32 s30, $0x4;
	_ =	swait.ge [sflag:s12], $0x18700  }
0x1b: {  	s17 =	sadd.s32 s6, s17;
	s16 =	sand.u32 $0x70, s16;
	[sflag:s12] =	ssyncset.done $0x0  }
0x1c: {  	s16 =	sadd.s32 s16, s17;
	s17 =	simm.s32 $0x0;
	[sflag:s12] =	ssyncadd.s32 $0xFFFE7900  }
.LBB2_3:
0x1d: {  	s17 =	sshll.u32 s17, $0xD  }
0x1e: {  	s18 =	sand.u32 $0x3FFFE000, s17  }
0x1f: {  	s20 =	sor.u32 $0x80, s18  }
0x20: {  	v0 =	vld [tilespmem:s20+$0x70]  }
0x21: {  	v1 =	vld [tilespmem:s20+$0xFFFFFF90]  }
0x22: {  	v2 =	vld [tilespmem:s20+$0xFFFFFFA0]  }
0x23: {  	v3 =	vld [tilespmem:s20+$0xFFFFFFB0]  }
0x24: {  	v4 =	vld [tilespmem:s20+$0xFFFFFFC0]  }
0x25: {  	v5 =	vld [tilespmem:s20+$0xFFFFFFD0]  }
0x26: {  	v6 =	vld [tilespmem:s20+$0xFFFFFFE0]  }
0x27: {  	v7 =	vld [tilespmem:s20+$0xFFFFFFF0]  }
0x28: {  	v8 =	vld [tilespmem:s20+$0x0]  }
0x29: {  	v9 =	vld [tilespmem:s20+$0x10]  }
0x2a: {  	v10 =	vld [tilespmem:s20+$0x20]  }
0x2b: {  	v11 =	vld [tilespmem:s20+$0x30]  }
0x2c: {  	v12 =	vld [tilespmem:s20+$0x40]  }
0x2d: {  	v13 =	vld [tilespmem:s20+$0x50]  }
0x2e: {  	v14 =	vld [tilespmem:s20+$0x60]  }
0x2f: {  	v15 =	vld [tilespmem:s20+$0xFFFFFF80]  }
0x30: {  	v0 =	vld.idx.msk [tilespmem:v0+s11+$0x0], $0xffff  }
0x31: {  	v1 =	vld.idx.msk [tilespmem:v1+s11+$0x0], $0xffff  }
0x32: {  	v2 =	vld.idx.msk [tilespmem:v2+s11+$0x0], $0xffff  }
0x33: {  	v3 =	vld.idx.msk [tilespmem:v3+s11+$0x0], $0xffff  }
0x34: {  	v4 =	vld.idx.msk [tilespmem:v4+s11+$0x0], $0xffff  }
0x35: {  	s18 =	simm.s32 $0x1C780;
	v5 =	vld.idx.msk [tilespmem:v5+s11+$0x0], $0xffff  }
0x36: {  	v6 =	vld.idx.msk [tilespmem:v6+s11+$0x0], $0xffff;
	[tilespmem:s18+$0x70] =	vst v0  }
0x37: {  	v7 =	vld.idx.msk [tilespmem:v7+s11+$0x0], $0xffff;
	[tilespmem:s18+$0xFFFFFF90] =	vst v1  }
0x38: {  	v15 =	vld.idx.msk [tilespmem:v15+s11+$0x0], $0xffff;
	[tilespmem:s18+$0xFFFFFFA0] =	vst v2  }
0x39: {  	v8 =	vld.idx.msk [tilespmem:v8+s11+$0x0], $0xffff;
	[tilespmem:s18+$0xFFFFFFB0] =	vst v3  }
0x3a: {  	[tilespmem:s18+$0xFFFFFFC0] =	vst v4;
	v0 =	vld.idx.msk [tilespmem:v9+s11+$0x0], $0xffff  }
0x3b: {  	[tilespmem:s18+$0xFFFFFFD0] =	vst v5;
	v1 =	vld.idx.msk [tilespmem:v10+s11+$0x0], $0xffff  }
0x3c: {  	[tilespmem:s18+$0xFFFFFFE0] =	vst v6;
	v2 =	vld.idx.msk [tilespmem:v11+s11+$0x0], $0xffff  }
0x3d: {  	[tilespmem:s18+$0xFFFFFFF0] =	vst v7;
	v3 =	vld.idx.msk [tilespmem:v12+s11+$0x0], $0xffff  }
0x3e: {  	[tilespmem:s18+$0xFFFFFF80] =	vst v15;
	v4 =	vld.idx.msk [tilespmem:v13+s11+$0x0], $0xffff  }
0x3f: {  	p0 =	por p1, p1;
	s19 =	simm.s32 $0x0;
	s20 =	sadd.s32 $0x100, s20;
	[tilespmem:s18+$0x0] =	vst v8;
	v5 =	vld.idx.msk [tilespmem:v14+s11+$0x0], $0xffff  }
.LBB2_4:
0x40: {  	v6 =	vld [tilespmem:s20+$0x70];
	s19 =	sadd.s32 $0x100, s19;
	[tilespmem:s18+$0x10] =	vst v0  }
0x41: {  	v0 =	vld [tilespmem:s20+$0xFFFFFF90];
	p1 =	slt.u32 s19, $0x1F00;
	[tilespmem:s18+$0x20] =	vst v1  }
0x42: {  	v1 =	vld [tilespmem:s20+$0xFFFFFFA0];
	[tilespmem:s18+$0x30] =	vst v2  }
0x43: {  	v2 =	vld [tilespmem:s20+$0xFFFFFFB0];
	[tilespmem:s18+$0x40] =	vst v3  }
0x44: {  	v3 =	vld [tilespmem:s20+$0xFFFFFFC0];
	[tilespmem:s18+$0x50] =	vst v4  }
0x45: {  	v4 =	vld [tilespmem:s20+$0xFFFFFFD0];
	[tilespmem:s18+$0x60] =	vst v5  }
0x46: {  	v5 =	vld [tilespmem:s20+$0xFFFFFFE0]  }
0x47: {  	v7 =	vld [tilespmem:s20+$0xFFFFFFF0]  }
0x48: {  	v6 =	vld.idx.msk [tilespmem:v6+s11+$0x0], $0xffff  }
0x49: {  	v8 =	vld [tilespmem:s20+$0x0]  }
0x4a: {  	v9 =	vld [tilespmem:s20+$0x10]  }
0x4b: {  	v10 =	vld [tilespmem:s20+$0x20]  }
0x4c: {  	v11 =	vld [tilespmem:s20+$0x30]  }
0x4d: {  	s18 =	sadd.s32 $0x100, s18;
	v12 =	vld [tilespmem:s20+$0x40]  }
0x4e: {  	v13 =	vld [tilespmem:s20+$0x50];
	[tilespmem:s18+$0x70] =	vst v6  }
0x4f: {  	v6 =	vld [tilespmem:s20+$0x60]  }
0x50: {  	v14 =	vld [tilespmem:s20+$0xFFFFFF80]  }
0x51: {  	v0 =	vld.idx.msk [tilespmem:v0+s11+$0x0], $0xffff  }
0x52: {  	v1 =	vld.idx.msk [tilespmem:v1+s11+$0x0], $0xffff  }
0x53: {  	v2 =	vld.idx.msk [tilespmem:v2+s11+$0x0], $0xffff  }
0x54: {  	v3 =	vld.idx.msk [tilespmem:v3+s11+$0x0], $0xffff  }
0x55: {  	v4 =	vld.idx.msk [tilespmem:v4+s11+$0x0], $0xffff  }
0x56: {  	v5 =	vld.idx.msk [tilespmem:v5+s11+$0x0], $0xffff  }
0x57: {  	[tilespmem:s18+$0xFFFFFF90] =	vst v0;
	v7 =	vld.idx.msk [tilespmem:v7+s11+$0x0], $0xffff  }
0x58: {  	v14 =	vld.idx.msk [tilespmem:v14+s11+$0x0], $0xffff;
	[tilespmem:s18+$0xFFFFFFA0] =	vst v1  }
0x59: {  	[tilespmem:s18+$0xFFFFFFB0] =	vst v2;
	v8 =	vld.idx.msk [tilespmem:v8+s11+$0x0], $0xffff  }
0x5a: {  	[tilespmem:s18+$0xFFFFFFC0] =	vst v3;
	v0 =	vld.idx.msk [tilespmem:v9+s11+$0x0], $0xffff  }
.Ltmp0:
0x5b: {  	[tilespmem:s18+$0xFFFFFFD0] =	vst v4;
	v1 =	vld.idx.msk [tilespmem:v10+s11+$0x0], $0xffff;
	(pc) =	sbr.rel @p1 .LBB2_4-.Ltmp0, $4  }
0x5c: {  	[tilespmem:s18+$0xFFFFFFE0] =	vst v5;
	v2 =	vld.idx.msk [tilespmem:v11+s11+$0x0], $0xffff  }
0x5d: {  	[tilespmem:s18+$0xFFFFFFF0] =	vst v7;
	v3 =	vld.idx.msk [tilespmem:v12+s11+$0x0], $0xffff  }
0x5e: {  	[tilespmem:s18+$0xFFFFFF80] =	vst v14;
	v4 =	vld.idx.msk [tilespmem:v13+s11+$0x0], $0xffff  }
0x5f: {  	s20 =	sadd.s32 $0x100, s20;
	[tilespmem:s18+$0x0] =	vst v8;
	v5 =	vld.idx.msk [tilespmem:v6+s11+$0x0], $0xffff  }
0x60: {  	[tilespmem:s18+$0x10] =	vst v0  }
0x61: {  	[tilespmem:s18+$0x20] =	vst v1  }
0x62: {  	[tilespmem:s18+$0x30] =	vst v2  }
0x63: {  	[tilespmem:s18+$0x40] =	vst v3  }
0x64: {  	[tilespmem:s18+$0x50] =	vst v4  }
0x65: {  	s17 =	sadd.s32 s17, s16;
	[tilespmem:s18+$0x60] =	vst v5  }
0x66: {  	[hbm4b:s17+s9] =	stream.strided.scatter [tilespmem:s13], [sflag:$0x1], $0x2000, s10, s9, $0x38;
	[tilespmem:$0x1E700] =	vst v63  }
.Ltmp1:
0x67: {  	_ = 	snop;
	(pc) =	sbr.rel @p0 .LBB2_3-.Ltmp1, $4  }
0x68: {  	s17 =	simm.s32 $0x1  }
0x69: {  	_ =	swait.ge [sflag:s17], $0x2000  }
0x6a: {  	[sflag:s17] =	ssyncset.done $0x0  }
0x6b: {  	p1 =	por $0x0, $0x0;
	[sflag:s17] =	ssyncadd.s32 $0xFFFFE000  }
0x6c: {  	s14 =	sadd.s32 $0x1, s14  }
0x6d: {  	p0 =	sne.s32 s14, $0x6  }
.Ltmp2:
0x6e: {  	_ = 	snop;
	(pc) =	sbr.rel @p0 .LBB2_2-.Ltmp2, $1  }
0x6f: {  	_ =	sdelay $0x3  }
0x70: {  	s4 =	sadd.s32 $0x1, s4  }
0x71: {  	p0 =	sne.s32 s4, s8  }
.Ltmp3:
0x72: {  	_ = 	snop;
	(pc) =	sbr.rel @p0 .LBB2_1-.Ltmp3, $1  }
0x73: {  	_ =	sdelay $0x3  }
0x74: {  	_ =	sfence.sel $0x180000  }
0x75: {  	[bflag:$0x0] =	sbarrier.arrive $0xFFFF  }
0x76: {  	p0 =	sne.s32 s0, $0x0;
	_ =	strace $0x9000004A  }
0x77: {  	s0 =	sadd.s32 @!p0 $0x100000, s2;
	[bflag:$0x2] =	sbarrier.arrive $0xFFFF  }
0x78: {  	[sflag:s0] =	ssyncadd.tile.s32 @!p0 $0x1;
	_ =	shalt  }
.Lfunc_end2:
_tile_overlayer_lowered:
.L_overlay_start_2:
0x79: {  	(tag) =	ssettag $0x2  }
0x7a: {  	s0 =	rddreg [dreg:$0x0];
	s2 =	stileid.u32  }
0x7b: {  	s1 =	rddreg [dreg:$0x1];
	p0 =	sne.s32 s2, $0x0  }
0x7c: {  	s3 =	rddreg [dreg:$0x2];
	[bflag:$0x3] =	sbarrier.arrive $0xFFFF;
	s2 =	simm.s32 @!p0 $0x1C01  }
0x7d: {  	[timem:s3], [sflag:s2] =	dma.local @!p0 [hbm:s0], s1  }
0x7e: {  	s0 =	simm.s32 @!p0 $0x1  }
0x7f: {  	_ =	swait.ge @!p0 [sflag:s0], s1  }
0x80: {  	s1 =	ssub.s32 @!p0 $0x0, s1;
	[sflag:s0] =	ssyncset.done @!p0 $0x0  }
0x81: {  	[sflag:s0] =	ssyncadd.s32 @!p0 s1  }
0x82: {  	[bflag:$0x3] =	sbarrier.arrive $0xFFFF  }
0x83: {  	_ =	shalt  }

</sc_bundles>
